<compile_context>
chip_gen: v7x
topology: tpu7x:2x2x1
jax: 0.10.2.dev20260603
libtpu: 0.0.44.dev20260713+nightly
codegen_flags: <defaults>
</compile_context>

<pallas_src>
import functools

import jax
import jax.numpy as jnp
from jax import lax
from jax.experimental import pallas as pl
from jax.experimental.pallas import tpu as pltpu
from jax.experimental.pallas import tpu_sc as plsc

B = 4096
F = 26
D = 16
ND = 4
IN_DIM = F * D
CIN = IN_DIM + D

V_ROWS = 1000000
ROWS = B * F
NW = 32
RPW = ROWS // NW
CHUNK = 128
NCHUNK = RPW // CHUNK


VC = 8192
TGRID = -(-V_ROWS // VC)


def _tr_body(x_ref, k_ref, m_ref, o_ref):
    x = x_ref[...]
    t = jnp.swapaxes(x, 0, 1)
    y2 = lax.dot_general(t, k_ref[...], (((1,), (0,)), ((), ())),
                         preferred_element_type=jnp.float32)
    y3 = y2 * m_ref[...]
    o_ref[...] = y3.reshape(VC // 8, 8, 128).sum(axis=1)


def _tc_transpose(embT):
    k = (jnp.arange(16)[:, None] == (jnp.arange(128) % 16)[None, :]).astype(jnp.float32)
    m = ((jnp.arange(VC) % 8)[:, None] == (jnp.arange(128) // 16)[None, :]).astype(jnp.float32)
    return pl.pallas_call(
        _tr_body,
        grid=(TGRID,),
        in_specs=[
            pl.BlockSpec((D, VC), lambda i: (0, i)),
            pl.BlockSpec((16, 128), lambda i: (0, 0)),
            pl.BlockSpec((VC, 128), lambda i: (0, 0)),
        ],
        out_specs=pl.BlockSpec((VC // 8, 128), lambda i: (i, 0)),
        out_shape=jax.ShapeDtypeStruct((V_ROWS * D // 128, 128), jnp.float32),
        compiler_params=pltpu.CompilerParams(dimension_semantics=("arbitrary",)),
    )(embT, k, m)


NTILE = 7813
TPW = 244


def _sc_transpose(embT, tail_final):
    mesh = plsc.VectorSubcoreMesh(core_axis_name="c", subcore_axis_name="s")

    @functools.partial(
        pl.kernel,
        mesh=mesh,
        out_type=jax.ShapeDtypeStruct((V_ROWS * D // 128, 128), jnp.float32),
        scratch_types=[
            pltpu.VMEM((2, 16, 128), jnp.float32),
            pltpu.VMEM((2, 16, 128), jnp.float32),
            pltpu.SemaphoreType.DMA,
            pltpu.SemaphoreType.DMA,
        ],
        compiler_params=pltpu.CompilerParams(needs_layout_passes=False),
    )
    def k(embT_hbm, tail_hbm, out_hbm, ibuf, obuf, semi, semo):
        wid = lax.axis_index("s") * 2 + lax.axis_index("c")
        iota16 = jax.lax.broadcasted_iota(jnp.int32, (16,), 0)

        def issue_in(t, slot):
            pltpu.async_copy(
                embT_hbm.at[pl.ds(0, 8), pl.ds(t * 128, 128)],
                ibuf.at[slot, pl.ds(0, 8), :], semi)
            pltpu.async_copy(
                embT_hbm.at[pl.ds(8, 8), pl.ds(t * 128, 128)],
                ibuf.at[slot, pl.ds(8, 8), :], semi)

        def drain_in(slot):
            pltpu.make_async_copy(
                embT_hbm.at[pl.ds(0, 8), pl.ds(0, 128)],
                ibuf.at[slot, pl.ds(0, 8), :], semi).wait()
            pltpu.make_async_copy(
                embT_hbm.at[pl.ds(8, 8), pl.ds(0, 128)],
                ibuf.at[slot, pl.ds(8, 8), :], semi).wait()

        def extract(slot, nrows):
            sidx = jnp.full((16,), slot, jnp.int32)
            for r in range(nrows):
                for s in range(8):
                    col = jnp.full((16,), 8 * r + s, jnp.int32)
                    piece = plsc.load_gather(ibuf, [sidx, iota16, col])
                    obuf[slot, r, pl.ds(16 * s, 16)] = piece

        def issue_out(t, slot):
            pltpu.async_copy(obuf.at[slot], out_hbm.at[pl.ds(t * 16, 16)], semo)

        def drain_out(slot):
            pltpu.make_async_copy(
                obuf.at[slot], out_hbm.at[pl.ds(0, 16)], semo).wait()

        issue_in(wid, 0)

        def body(j, _):
            t0 = wid + 64 * j
            drain_in(0)
            issue_in(t0 + 32, 1)

            @pl.when(j >= 1)
            def _():
                drain_out(0)

            extract(0, 16)
            issue_out(t0, 0)
            drain_in(1)

            @pl.when(j + 1 < TPW // 2)
            def _():
                issue_in(t0 + 64, 0)

            @pl.when(j >= 1)
            def _():
                drain_out(1)

            extract(1, 16)
            issue_out(t0 + 32, 1)
            return 0

        lax.fori_loop(0, TPW // 2, body, 0)
        drain_out(0)
        drain_out(1)

        @pl.when(wid < 4)
        def _():
            t = 7808 + wid
            pltpu.sync_copy(embT_hbm.at[pl.ds(0, 8), pl.ds(t * 128, 128)],
                            ibuf.at[0, pl.ds(0, 8), :])
            pltpu.sync_copy(embT_hbm.at[pl.ds(8, 8), pl.ds(t * 128, 128)],
                            ibuf.at[0, pl.ds(8, 8), :])
            extract(0, 16)
            pltpu.sync_copy(obuf.at[0], out_hbm.at[pl.ds(t * 16, 16)])

        @pl.when(wid == 4)
        def _():
            pltpu.sync_copy(tail_hbm, out_hbm.at[pl.ds(124992, 8)])

    return k(embT, tail_final)


def _sc_gather(table, ids3):
    mesh = plsc.VectorSubcoreMesh(core_axis_name="c", subcore_axis_name="s")

    @functools.partial(
        pl.kernel,
        mesh=mesh,
        out_type=jax.ShapeDtypeStruct((ROWS, D), jnp.float32),
        scratch_types=[
            pltpu.VMEM((NCHUNK, CHUNK), jnp.int32),
            pltpu.VMEM((RPW, D), jnp.float32),
            pltpu.SemaphoreType.DMA,
        ],
        compiler_params=pltpu.CompilerParams(use_tc_tiling_on_sc=False),
    )
    def k(table_hbm, ids_hbm, out_hbm, idx_v, rows_v, sem):
        wid = lax.axis_index("s") * 2 + lax.axis_index("c")
        base = wid * RPW
        pltpu.sync_copy(ids_hbm.at[wid], idx_v)
        copies = []
        for j in range(NCHUNK):
            copies.append(
                pltpu.async_copy(
                    table_hbm.at[idx_v.at[j]],
                    rows_v.at[pl.ds(j * CHUNK, CHUNK)],
                    sem,
                )
            )
        for c in copies:
            c.wait()
        pltpu.sync_copy(rows_v, out_hbm.at[pl.ds(base, RPW)])

    return k(table, ids3)


BLK = 512
GRID = B // BLK
DOT_PREC = lax.Precision.DEFAULT


def _tc_body(
    x_ref, oh_ref,
    dom_emb_ref, pnw_ref, pnb_ref,
    cwm_ref, cwd_ref, cbm_ref, cbd_ref,
    c1m_ref, c1d_ref, c1b_ref, c2_ref, c2b_ref, c3_ref, c3b_ref,
    d1m_ref, d1d_ref, d1b_ref, d2_ref, d2b_ref, d3_ref, d3b_ref,
    f1_ref, f1b_ref, f2_ref, f2b_ref,
    a1_ref, a1b_ref, a2_ref, a2b_ref,
    out_ref,
):
    f32 = jnp.float32
    x = x_ref[...]
    oh = oh_ref[...]

    mean = jnp.mean(x, axis=1, keepdims=True)
    xc = x - mean
    var = jnp.mean(xc * xc, axis=1, keepdims=True)
    xn = xc * lax.rsqrt(var + 1e-5)

    pnw = jnp.dot(oh, pnw_ref[...], preferred_element_type=f32, precision=DOT_PREC)
    pnb = jnp.dot(oh, pnb_ref[...], preferred_element_type=f32, precision=DOT_PREC)
    xn = xn * pnw + pnb
    dom = jnp.dot(oh, dom_emb_ref[...], preferred_element_type=f32, precision=DOT_PREC)

    x0m, x0d = xn, dom
    xm, xd = xn, dom
    for i in range(3):
        proj = (
            jnp.sum(xm * cwm_ref[i][None, :], axis=1, keepdims=True)
            + jnp.sum(xd * cwd_ref[i][None, :], axis=1, keepdims=True)
        )
        xm = x0m * proj + cbm_ref[i][None, :] + xm
        xd = x0d * proj + cbd_ref[i][None, :] + xd

    h = jax.nn.relu(
        jnp.dot(xm, c1m_ref[...], preferred_element_type=f32, precision=DOT_PREC)
        + jnp.dot(xd, c1d_ref[...], preferred_element_type=f32, precision=DOT_PREC)
        + c1b_ref[...]
    )
    h = jax.nn.relu(jnp.dot(h, c2_ref[...], preferred_element_type=f32, precision=DOT_PREC) + c2b_ref[...])
    center = jnp.dot(h, c3_ref[...], preferred_element_type=f32, precision=DOT_PREC) + c3b_ref[...]

    domout = jnp.zeros((BLK, 128), f32)
    for d in range(ND):
        h1 = jax.nn.relu(
            jnp.dot(xm, d1m_ref[d], preferred_element_type=f32, precision=DOT_PREC)
            + jnp.dot(xd, d1d_ref[d], preferred_element_type=f32, precision=DOT_PREC)
            + d1b_ref[d][None, :]
        )
        h2 = jax.nn.relu(jnp.dot(h1, d2_ref[d], preferred_element_type=f32, precision=DOT_PREC) + d2b_ref[d][None, :])
        h3 = jnp.dot(h2, d3_ref[d], preferred_element_type=f32, precision=DOT_PREC) + d3b_ref[d][None, :]
        domout = domout + oh[:, d:d + 1] * h3

    fused = center * jnp.tanh(domout)
    h = jax.nn.relu(jnp.dot(fused, f1_ref[...], preferred_element_type=f32, precision=DOT_PREC) + f1b_ref[...])
    logit = jnp.dot(h, f2_ref[...], preferred_element_type=f32, precision=DOT_PREC) + f2b_ref[...]

    ha = jax.nn.relu(jnp.dot(dom, a1_ref[...], preferred_element_type=f32, precision=DOT_PREC) + a1b_ref[...])
    aux = jnp.dot(ha, a2_ref[...], preferred_element_type=f32, precision=DOT_PREC) + a2b_ref[...]

    out_ref[...] = jax.nn.sigmoid(logit + aux)


def _const_spec(shape):
    rank = len(shape)
    return pl.BlockSpec(shape, lambda i: (0,) * rank)


def _tc_forward(shared, oh, weights, interpret=False):
    in_specs = [
        pl.BlockSpec((BLK, IN_DIM), lambda i: (i, 0)),
        pl.BlockSpec((BLK, ND), lambda i: (i, 0)),
    ] + [_const_spec(w.shape) for w in weights]
    return pl.pallas_call(
        _tc_body,
        grid=(GRID,),
        in_specs=in_specs,
        out_specs=pl.BlockSpec((BLK, 1), lambda i: (i, 0)),
        out_shape=jax.ShapeDtypeStruct((B, 1), jnp.float32),
        compiler_params=pltpu.CompilerParams(
            dimension_semantics=("arbitrary",),
        ),
        interpret=interpret,
    )(shared, oh, *weights)


def _prep_weights(params):
    cw = params["cross_w"]
    cb = params["cross_b"]
    c1w, c1b = params["center"][0]
    c2w, c2b = params["center"][1]
    c3w, c3b = params["center"][2]
    f1w, f1b = params["final"][0]
    f2w, f2b = params["final"][1]
    a1w, a1b = params["aux"][0]
    a2w, a2b = params["aux"][1]
    row = lambda v: v.reshape(1, -1)
    return [
        params["dom_emb"],
        params["pn_w"], params["pn_b"],
        cw[:, :IN_DIM], cw[:, IN_DIM:],
        cb[:, :IN_DIM], cb[:, IN_DIM:],
        c1w[:IN_DIM], c1w[IN_DIM:], row(c1b),
        c2w, row(c2b), c3w, row(c3b),
        params["dW1"][:, :IN_DIM], params["dW1"][:, IN_DIM:], params["db1"],
        params["dW2"], params["db2"], params["dW3"], params["db3"],
        f1w, row(f1b), f2w, row(f2b),
        a1w, row(a1b), a2w, row(a2b),
    ]


def kernel(sparse_ids, domain_ids, params):
    ids3 = sparse_ids.reshape(NW, NCHUNK, CHUNK)
    table128 = _tc_transpose(params["emb"].T)
    table = table128.reshape(V_ROWS, D)
    rows = _sc_gather(table, ids3)
    shared = rows.reshape(B, IN_DIM)
    oh = jax.nn.one_hot(domain_ids, ND, dtype=jnp.float32)
    weights = _prep_weights(params)
    return _tc_forward(shared, oh, weights)

# --- scband reference (transcript-rebuilt; emitter-appended) ---
"""Pipeline reference for scband-star-cross-fusion-model-86955907875127 (READ-ONLY COPY).

The authoritative reference and input builder live on the scoring server;
editing this copy changes nothing except your own understanding.
"""

import jax, jax.numpy as jnp
import numpy as np

B = 4096
F = 26
V = 1000000
D = 16
ND = 4
IN_DIM = F * D
CIN = IN_DIM + D


def _lin(key, i, o, bias_val=0.0):
    w = jax.random.normal(key, (i, o), jnp.float32) * (1.0 / np.sqrt(i))
    b = jnp.full((o,), bias_val, jnp.float32)
    return (w, b)


def _make_params(key):
    ks = jax.random.split(key, 16)
    params = {}
    params['emb'] = jax.random.normal(ks[0], (V, D), jnp.float32) * 0.1
    params['dom_emb'] = jax.random.normal(ks[1], (ND, D), jnp.float32) * 0.1
    params['pn_w'] = jnp.ones((ND, IN_DIM), jnp.float32)
    params['pn_b'] = jnp.zeros((ND, IN_DIM), jnp.float32)
    params['cross_w'] = jax.random.normal(ks[2], (3, CIN), jnp.float32) * 0.05
    params['cross_b'] = jnp.zeros((3, CIN), jnp.float32)
    dims = [CIN, 512, 256, 128]
    params['center'] = [_lin(ks[3 + i], dims[i], dims[i + 1]) for i in range(3)]
    params['dW1'] = jax.random.normal(ks[7], (ND, CIN, 512), jnp.float32) * (1.0 / np.sqrt(CIN))
    params['db1'] = jnp.zeros((ND, 512), jnp.float32)
    params['dW2'] = jax.random.normal(ks[8], (ND, 512, 256), jnp.float32) * (1.0 / np.sqrt(512))
    params['db2'] = jnp.zeros((ND, 256), jnp.float32)
    params['dW3'] = jax.random.normal(ks[9], (ND, 256, 128), jnp.float32) * (1.0 / np.sqrt(256))
    params['db3'] = jnp.ones((ND, 128), jnp.float32)  # domain_net_init_bias = 1.0
    params['final'] = [_lin(ks[10], 128, 64), _lin(ks[11], 64, 1)]
    params['aux'] = [_lin(ks[12], D, 32), _lin(ks[13], 32, 1)]
    return params


def setup_inputs(seed: int = 0):
    key = jax.random.key(seed)
    k1, k2, k3 = jax.random.split(key, 3)
    sparse_ids = jax.random.randint(k1, (B, F), 0, V, dtype=jnp.int32)
    domain_ids = jax.random.randint(k2, (B,), 0, ND, dtype=jnp.int32)
    params = _make_params(k3)
    return {'sparse_ids': sparse_ids, 'domain_ids': domain_ids, 'params': params}


def _forward(params, sparse_ids, domain_ids):
    # EmbeddingSumConcat: gather per-field embeddings, concat to [B, F*D]
    emb = jnp.take(params['emb'], sparse_ids, axis=0)
    shared = emb.reshape(emb.shape[0], -1)
    dom = jnp.take(params['dom_emb'], domain_ids, axis=0)
    # PartitionedNormalization (per-sample layernorm with per-domain affine)
    mean = shared.mean(axis=1, keepdims=True)
    var = shared.var(axis=1, keepdims=True)
    xn = (shared - mean) / jnp.sqrt(var + 1e-5)
    xn = xn * jnp.take(params['pn_w'], domain_ids, axis=0) + jnp.take(params['pn_b'], domain_ids, axis=0)
    # CrossNetworkWithDomain
    x_total = jnp.concatenate([xn, dom], axis=1)
    x0 = x_total
    xc = x_total
    for i in range(3):
        proj = xc @ params['cross_w'][i]
        xc = x0 * proj[:, None] + params['cross_b'][i] + xc
    # center net
    h = xc
    for (w, b) in params['center'][:-1]:
        h = jax.nn.relu(h @ w + b)
    w, b = params['center'][-1]
    center_out = h @ w + b
    # domain-specific nets (compute all domains, select per-sample)
    hd = jax.nn.relu(jnp.einsum('bi,dio->dbo', xc, params['dW1']) + params['db1'][:, None, :])
    hd = jax.nn.relu(jnp.einsum('dbi,dio->dbo', hd, params['dW2']) + params['db2'][:, None, :])
    hd = jnp.einsum('dbi,dio->dbo', hd, params['dW3']) + params['db3'][:, None, :]
    hb = jnp.transpose(hd, (1, 0, 2))
    idx = jnp.broadcast_to(domain_ids[:, None, None], (hb.shape[0], 1, hb.shape[2]))
    dom_out = jnp.take_along_axis(hb, idx, axis=1)[:, 0, :]
    # STAR fusion
    fused = center_out * jnp.tanh(dom_out)
    h = fused
    for (w, b) in params['final'][:-1]:
        h = jax.nn.relu(h @ w + b)
    w, b = params['final'][-1]
    logit = h @ w + b
    # auxiliary net on domain embedding
    ha = jax.nn.relu(dom @ params['aux'][0][0] + params['aux'][0][1])
    aux_logit = ha @ params['aux'][1][0] + params['aux'][1][1]
    return jax.nn.sigmoid(logit + aux_logit)


def reference(sparse_ids, domain_ids, params):
    return _forward(params, sparse_ids, domain_ids)

if __name__ == "__main__":
    import jax
    _d = setup_inputs()
    print(jax.jit(kernel)(*tuple(_d.values())))

</pallas_src>

<mosaic_0001>
#map = affine_map<(d0, d1) -> (0, 0)>
#map1 = affine_map<(d0, d1) -> (0, 0, 0)>
module attributes {stable_mosaic.version = 14 : i64} {
  func.func @k(%arg0: i32, %arg1: i32, %arg2: memref<1000000x16xf32, #tpu.memory_space<hbm>>, %arg3: memref<32x26x128xi32, #tpu.memory_space<hbm>>, %arg4: memref<106496x16xf32, #tpu.memory_space<hbm>>, %arg5: memref<26x128xi32, #tpu.memory_space<vmem>>, %arg6: memref<3328x16xf32, #tpu.memory_space<vmem>>, %arg7: memref<!tpu.dma_semaphore, #tpu.memory_space<semaphore_mem>>) attributes {dimension_semantics = [#tpu.dimension_semantics<core_parallel>, #tpu.dimension_semantics<subcore_parallel>], iteration_bounds = array<i64: 2, 16>, scalar_prefetch = 0 : i64, scratch_operands = 3 : i64, tpu.core_type = #tpu.core_type<sc_vector_subcore>, window_params = [{transform_indices = #map}, {transform_indices = #map1}, {transform_indices = #map}]} {
    %mul3A = arith.constant 2 : i32
    %mul3A_0 = arith.muli %arg1, %mul3A : i32
    %add3A = arith.addi %mul3A_0, %arg0 : i32
    %mul3A_1 = arith.constant 3328 : i32
    %mul3A_2 = arith.muli %add3A, %mul3A_1 : i32
    "tpu.region"() ({
      %run_scoped3A = tpu.sem_alloc : memref<!tpu.dma_semaphore, #tpu.memory_space<semaphore_mem>>
      %dma_start3A_521 = arith.constant 0 : i32
      %dma_start3A_522 = arith.constant 0 : i32
      %dma_start3A_523 = tpu.memref_slice %arg3[%add3A, %dma_start3A_521, %dma_start3A_522] : memref<32x26x128xi32, #tpu.memory_space<hbm>> -> memref<1x26x128xi32, #tpu.memory_space<hbm>>
      %dma_start3A_524 = tpu.memref_squeeze %dma_start3A_523 : memref<1x26x128xi32, #tpu.memory_space<hbm>> -> memref<26x128xi32, #tpu.memory_space<hbm>>
      %dma_start3A_525 = arith.constant 0 : i32
      %dma_start3A_526 = arith.constant 0 : i32
      %dma_start3A_527 = tpu.memref_slice %arg3[%add3A, %dma_start3A_525, %dma_start3A_526] : memref<32x26x128xi32, #tpu.memory_space<hbm>> -> memref<1x26x128xi32, #tpu.memory_space<hbm>>
      %dma_start3A_528 = tpu.memref_squeeze %dma_start3A_527 : memref<1x26x128xi32, #tpu.memory_space<hbm>> -> memref<26x128xi32, #tpu.memory_space<hbm>>
      tpu.enqueue_dma source(%dma_start3A_528 : memref<26x128xi32, #tpu.memory_space<hbm>>) target(%arg5 : memref<26x128xi32, #tpu.memory_space<vmem>>) target_semaphore(%run_scoped3A : memref<!tpu.dma_semaphore, #tpu.memory_space<semaphore_mem>>)
      %dma_wait3A_529 = arith.constant 0 : i32
      %dma_wait3A_530 = arith.constant 0 : i32
      %dma_wait3A_531 = tpu.memref_slice %arg3[%add3A, %dma_wait3A_529, %dma_wait3A_530] : memref<32x26x128xi32, #tpu.memory_space<hbm>> -> memref<1x26x128xi32, #tpu.memory_space<hbm>>
      %dma_wait3A_532 = tpu.memref_squeeze %dma_wait3A_531 : memref<1x26x128xi32, #tpu.memory_space<hbm>> -> memref<26x128xi32, #tpu.memory_space<hbm>>
      %dma_wait3A_533 = arith.constant 0 : i32
      %dma_wait3A_534 = arith.constant 0 : i32
      %dma_wait3A_535 = tpu.memref_slice %arg3[%add3A, %dma_wait3A_533, %dma_wait3A_534] : memref<32x26x128xi32, #tpu.memory_space<hbm>> -> memref<1x26x128xi32, #tpu.memory_space<hbm>>
      %dma_wait3A_536 = tpu.memref_squeeze %dma_wait3A_535 : memref<1x26x128xi32, #tpu.memory_space<hbm>> -> memref<26x128xi32, #tpu.memory_space<hbm>>
      tpu.wait_dma2 semaphore(%run_scoped3A : memref<!tpu.dma_semaphore, #tpu.memory_space<semaphore_mem>>) src(%dma_wait3A_536 : memref<26x128xi32, #tpu.memory_space<hbm>>) dst(%arg5 : memref<26x128xi32, #tpu.memory_space<vmem>>)
      tpu.yield
    }) : () -> ()
    %dma_start3A = arith.constant 0 : i32
    %dma_start3A_3 = arith.constant 0 : i32
    %dma_start3A_4 = arith.constant 0 : i32
    %dma_start3A_5 = tpu.memref_slice %arg6[%dma_start3A_3, %dma_start3A_4] : memref<3328x16xf32, #tpu.memory_space<vmem>> -> memref<128x16xf32, #tpu.memory_space<vmem>>
    %dma_start3A_6 = arith.constant 0 : i32
    %dma_start3A_7 = tpu.memref_slice %arg5[%dma_start3A, %dma_start3A_6] : memref<26x128xi32, #tpu.memory_space<vmem>> -> memref<1x128xi32, #tpu.memory_space<vmem>>
    %dma_start3A_8 = tpu.memref_squeeze %dma_start3A_7 : memref<1x128xi32, #tpu.memory_space<vmem>> -> memref<128xi32, #tpu.memory_space<vmem>>
    %dma_start3A_9 = arith.constant 0 : i32
    %dma_start3A_10 = arith.constant 0 : i32
    %dma_start3A_11 = tpu.memref_slice %arg2[%dma_start3A_9, %dma_start3A_10] : memref<1000000x16xf32, #tpu.memory_space<hbm>> -> memref<1000000x16xf32, #tpu.memory_space<hbm>>
    tpu.enqueue_indirect_dma source(%dma_start3A_11 : memref<1000000x16xf32, #tpu.memory_space<hbm>>) target(%dma_start3A_5 : memref<128x16xf32, #tpu.memory_space<vmem>>) offsets(%dma_start3A_8 : memref<128xi32, #tpu.memory_space<vmem>>) semaphore(%arg7 : memref<!tpu.dma_semaphore, #tpu.memory_space<semaphore_mem>>)
    %dma_start3A_12 = arith.constant 1 : i32
    %dma_start3A_13 = arith.constant 128 : i32
    %dma_start3A_14 = arith.constant 0 : i32
    %dma_start3A_15 = tpu.memref_slice %arg6[%dma_start3A_13, %dma_start3A_14] : memref<3328x16xf32, #tpu.memory_space<vmem>> -> memref<128x16xf32, #tpu.memory_space<vmem>>
    %dma_start3A_16 = arith.constant 0 : i32
    %dma_start3A_17 = tpu.memref_slice %arg5[%dma_start3A_12, %dma_start3A_16] : memref<26x128xi32, #tpu.memory_space<vmem>> -> memref<1x128xi32, #tpu.memory_space<vmem>>
    %dma_start3A_18 = tpu.memref_squeeze %dma_start3A_17 : memref<1x128xi32, #tpu.memory_space<vmem>> -> memref<128xi32, #tpu.memory_space<vmem>>
    %dma_start3A_19 = arith.constant 0 : i32
    %dma_start3A_20 = arith.constant 0 : i32
    %dma_start3A_21 = tpu.memref_slice %arg2[%dma_start3A_19, %dma_start3A_20] : memref<1000000x16xf32, #tpu.memory_space<hbm>> -> memref<1000000x16xf32, #tpu.memory_space<hbm>>
    tpu.enqueue_indirect_dma source(%dma_start3A_21 : memref<1000000x16xf32, #tpu.memory_space<hbm>>) target(%dma_start3A_15 : memref<128x16xf32, #tpu.memory_space<vmem>>) offsets(%dma_start3A_18 : memref<128xi32, #tpu.memory_space<vmem>>) semaphore(%arg7 : memref<!tpu.dma_semaphore, #tpu.memory_space<semaphore_mem>>)
    %dma_start3A_22 = arith.constant 2 : i32
    %dma_start3A_23 = arith.constant 256 : i32
    %dma_start3A_24 = arith.constant 0 : i32
    %dma_start3A_25 = tpu.memref_slice %arg6[%dma_start3A_23, %dma_start3A_24] : memref<3328x16xf32, #tpu.memory_space<vmem>> -> memref<128x16xf32, #tpu.memory_space<vmem>>
    %dma_start3A_26 = arith.constant 0 : i32
    %dma_start3A_27 = tpu.memref_slice %arg5[%dma_start3A_22, %dma_start3A_26] : memref<26x128xi32, #tpu.memory_space<vmem>> -> memref<1x128xi32, #tpu.memory_space<vmem>>
    %dma_start3A_28 = tpu.memref_squeeze %dma_start3A_27 : memref<1x128xi32, #tpu.memory_space<vmem>> -> memref<128xi32, #tpu.memory_space<vmem>>
    %dma_start3A_29 = arith.constant 0 : i32
    %dma_start3A_30 = arith.constant 0 : i32
    %dma_start3A_31 = tpu.memref_slice %arg2[%dma_start3A_29, %dma_start3A_30] : memref<1000000x16xf32, #tpu.memory_space<hbm>> -> memref<1000000x16xf32, #tpu.memory_space<hbm>>
    tpu.enqueue_indirect_dma source(%dma_start3A_31 : memref<1000000x16xf32, #tpu.memory_space<hbm>>) target(%dma_start3A_25 : memref<128x16xf32, #tpu.memory_space<vmem>>) offsets(%dma_start3A_28 : memref<128xi32, #tpu.memory_space<vmem>>) semaphore(%arg7 : memref<!tpu.dma_semaphore, #tpu.memory_space<semaphore_mem>>)
    %dma_start3A_32 = arith.constant 3 : i32
    %dma_start3A_33 = arith.constant 384 : i32
    %dma_start3A_34 = arith.constant 0 : i32
    %dma_start3A_35 = tpu.memref_slice %arg6[%dma_start3A_33, %dma_start3A_34] : memref<3328x16xf32, #tpu.memory_space<vmem>> -> memref<128x16xf32, #tpu.memory_space<vmem>>
    %dma_start3A_36 = arith.constant 0 : i32
    %dma_start3A_37 = tpu.memref_slice %arg5[%dma_start3A_32, %dma_start3A_36] : memref<26x128xi32, #tpu.memory_space<vmem>> -> memref<1x128xi32, #tpu.memory_space<vmem>>
    %dma_start3A_38 = tpu.memref_squeeze %dma_start3A_37 : memref<1x128xi32, #tpu.memory_space<vmem>> -> memref<128xi32, #tpu.memory_space<vmem>>
    %dma_start3A_39 = arith.constant 0 : i32
    %dma_start3A_40 = arith.constant 0 : i32
    %dma_start3A_41 = tpu.memref_slice %arg2[%dma_start3A_39, %dma_start3A_40] : memref<1000000x16xf32, #tpu.memory_space<hbm>> -> memref<1000000x16xf32, #tpu.memory_space<hbm>>
    tpu.enqueue_indirect_dma source(%dma_start3A_41 : memref<1000000x16xf32, #tpu.memory_space<hbm>>) target(%dma_start3A_35 : memref<128x16xf32, #tpu.memory_space<vmem>>) offsets(%dma_start3A_38 : memref<128xi32, #tpu.memory_space<vmem>>) semaphore(%arg7 : memref<!tpu.dma_semaphore, #tpu.memory_space<semaphore_mem>>)
    %dma_start3A_42 = arith.constant 4 : i32
    %dma_start3A_43 = arith.constant 512 : i32
    %dma_start3A_44 = arith.constant 0 : i32
    %dma_start3A_45 = tpu.memref_slice %arg6[%dma_start3A_43, %dma_start3A_44] : memref<3328x16xf32, #tpu.memory_space<vmem>> -> memref<128x16xf32, #tpu.memory_space<vmem>>
    %dma_start3A_46 = arith.constant 0 : i32
    %dma_start3A_47 = tpu.memref_slice %arg5[%dma_start3A_42, %dma_start3A_46] : memref<26x128xi32, #tpu.memory_space<vmem>> -> memref<1x128xi32, #tpu.memory_space<vmem>>
    %dma_start3A_48 = tpu.memref_squeeze %dma_start3A_47 : memref<1x128xi32, #tpu.memory_space<vmem>> -> memref<128xi32, #tpu.memory_space<vmem>>
    %dma_start3A_49 = arith.constant 0 : i32
    %dma_start3A_50 = arith.constant 0 : i32
    %dma_start3A_51 = tpu.memref_slice %arg2[%dma_start3A_49, %dma_start3A_50] : memref<1000000x16xf32, #tpu.memory_space<hbm>> -> memref<1000000x16xf32, #tpu.memory_space<hbm>>
    tpu.enqueue_indirect_dma source(%dma_start3A_51 : memref<1000000x16xf32, #tpu.memory_space<hbm>>) target(%dma_start3A_45 : memref<128x16xf32, #tpu.memory_space<vmem>>) offsets(%dma_start3A_48 : memref<128xi32, #tpu.memory_space<vmem>>) semaphore(%arg7 : memref<!tpu.dma_semaphore, #tpu.memory_space<semaphore_mem>>)
    %dma_start3A_52 = arith.constant 5 : i32
    %dma_start3A_53 = arith.constant 640 : i32
    %dma_start3A_54 = arith.constant 0 : i32
    %dma_start3A_55 = tpu.memref_slice %arg6[%dma_start3A_53, %dma_start3A_54] : memref<3328x16xf32, #tpu.memory_space<vmem>> -> memref<128x16xf32, #tpu.memory_space<vmem>>
    %dma_start3A_56 = arith.constant 0 : i32
    %dma_start3A_57 = tpu.memref_slice %arg5[%dma_start3A_52, %dma_start3A_56] : memref<26x128xi32, #tpu.memory_space<vmem>> -> memref<1x128xi32, #tpu.memory_space<vmem>>
    %dma_start3A_58 = tpu.memref_squeeze %dma_start3A_57 : memref<1x128xi32, #tpu.memory_space<vmem>> -> memref<128xi32, #tpu.memory_space<vmem>>
    %dma_start3A_59 = arith.constant 0 : i32
    %dma_start3A_60 = arith.constant 0 : i32
    %dma_start3A_61 = tpu.memref_slice %arg2[%dma_start3A_59, %dma_start3A_60] : memref<1000000x16xf32, #tpu.memory_space<hbm>> -> memref<1000000x16xf32, #tpu.memory_space<hbm>>
    tpu.enqueue_indirect_dma source(%dma_start3A_61 : memref<1000000x16xf32, #tpu.memory_space<hbm>>) target(%dma_start3A_55 : memref<128x16xf32, #tpu.memory_space<vmem>>) offsets(%dma_start3A_58 : memref<128xi32, #tpu.memory_space<vmem>>) semaphore(%arg7 : memref<!tpu.dma_semaphore, #tpu.memory_space<semaphore_mem>>)
    %dma_start3A_62 = arith.constant 6 : i32
    %dma_start3A_63 = arith.constant 768 : i32
    %dma_start3A_64 = arith.constant 0 : i32
    %dma_start3A_65 = tpu.memref_slice %arg6[%dma_start3A_63, %dma_start3A_64] : memref<3328x16xf32, #tpu.memory_space<vmem>> -> memref<128x16xf32, #tpu.memory_space<vmem>>
    %dma_start3A_66 = arith.constant 0 : i32
    %dma_start3A_67 = tpu.memref_slice %arg5[%dma_start3A_62, %dma_start3A_66] : memref<26x128xi32, #tpu.memory_space<vmem>> -> memref<1x128xi32, #tpu.memory_space<vmem>>
    %dma_start3A_68 = tpu.memref_squeeze %dma_start3A_67 : memref<1x128xi32, #tpu.memory_space<vmem>> -> memref<128xi32, #tpu.memory_space<vmem>>
    %dma_start3A_69 = arith.constant 0 : i32
    %dma_start3A_70 = arith.constant 0 : i32
    %dma_start3A_71 = tpu.memref_slice %arg2[%dma_start3A_69, %dma_start3A_70] : memref<1000000x16xf32, #tpu.memory_space<hbm>> -> memref<1000000x16xf32, #tpu.memory_space<hbm>>
    tpu.enqueue_indirect_dma source(%dma_start3A_71 : memref<1000000x16xf32, #tpu.memory_space<hbm>>) target(%dma_start3A_65 : memref<128x16xf32, #tpu.memory_space<vmem>>) offsets(%dma_start3A_68 : memref<128xi32, #tpu.memory_space<vmem>>) semaphore(%arg7 : memref<!tpu.dma_semaphore, #tpu.memory_space<semaphore_mem>>)
    %dma_start3A_72 = arith.constant 7 : i32
    %dma_start3A_73 = arith.constant 896 : i32
    %dma_start3A_74 = arith.constant 0 : i32
    %dma_start3A_75 = tpu.memref_slice %arg6[%dma_start3A_73, %dma_start3A_74] : memref<3328x16xf32, #tpu.memory_space<vmem>> -> memref<128x16xf32, #tpu.memory_space<vmem>>
    %dma_start3A_76 = arith.constant 0 : i32
    %dma_start3A_77 = tpu.memref_slice %arg5[%dma_start3A_72, %dma_start3A_76] : memref<26x128xi32, #tpu.memory_space<vmem>> -> memref<1x128xi32, #tpu.memory_space<vmem>>
    %dma_start3A_78 = tpu.memref_squeeze %dma_start3A_77 : memref<1x128xi32, #tpu.memory_space<vmem>> -> memref<128xi32, #tpu.memory_space<vmem>>
    %dma_start3A_79 = arith.constant 0 : i32
    %dma_start3A_80 = arith.constant 0 : i32
    %dma_start3A_81 = tpu.memref_slice %arg2[%dma_start3A_79, %dma_start3A_80] : memref<1000000x16xf32, #tpu.memory_space<hbm>> -> memref<1000000x16xf32, #tpu.memory_space<hbm>>
    tpu.enqueue_indirect_dma source(%dma_start3A_81 : memref<1000000x16xf32, #tpu.memory_space<hbm>>) target(%dma_start3A_75 : memref<128x16xf32, #tpu.memory_space<vmem>>) offsets(%dma_start3A_78 : memref<128xi32, #tpu.memory_space<vmem>>) semaphore(%arg7 : memref<!tpu.dma_semaphore, #tpu.memory_space<semaphore_mem>>)
    %dma_start3A_82 = arith.constant 8 : i32
    %dma_start3A_83 = arith.constant 1024 : i32
    %dma_start3A_84 = arith.constant 0 : i32
    %dma_start3A_85 = tpu.memref_slice %arg6[%dma_start3A_83, %dma_start3A_84] : memref<3328x16xf32, #tpu.memory_space<vmem>> -> memref<128x16xf32, #tpu.memory_space<vmem>>
    %dma_start3A_86 = arith.constant 0 : i32
    %dma_start3A_87 = tpu.memref_slice %arg5[%dma_start3A_82, %dma_start3A_86] : memref<26x128xi32, #tpu.memory_space<vmem>> -> memref<1x128xi32, #tpu.memory_space<vmem>>
    %dma_start3A_88 = tpu.memref_squeeze %dma_start3A_87 : memref<1x128xi32, #tpu.memory_space<vmem>> -> memref<128xi32, #tpu.memory_space<vmem>>
    %dma_start3A_89 = arith.constant 0 : i32
    %dma_start3A_90 = arith.constant 0 : i32
    %dma_start3A_91 = tpu.memref_slice %arg2[%dma_start3A_89, %dma_start3A_90] : memref<1000000x16xf32, #tpu.memory_space<hbm>> -> memref<1000000x16xf32, #tpu.memory_space<hbm>>
    tpu.enqueue_indirect_dma source(%dma_start3A_91 : memref<1000000x16xf32, #tpu.memory_space<hbm>>) target(%dma_start3A_85 : memref<128x16xf32, #tpu.memory_space<vmem>>) offsets(%dma_start3A_88 : memref<128xi32, #tpu.memory_space<vmem>>) semaphore(%arg7 : memref<!tpu.dma_semaphore, #tpu.memory_space<semaphore_mem>>)
    %dma_start3A_92 = arith.constant 9 : i32
    %dma_start3A_93 = arith.constant 1152 : i32
    %dma_start3A_94 = arith.constant 0 : i32
    %dma_start3A_95 = tpu.memref_slice %arg6[%dma_start3A_93, %dma_start3A_94] : memref<3328x16xf32, #tpu.memory_space<vmem>> -> memref<128x16xf32, #tpu.memory_space<vmem>>
    %dma_start3A_96 = arith.constant 0 : i32
    %dma_start3A_97 = tpu.memref_slice %arg5[%dma_start3A_92, %dma_start3A_96] : memref<26x128xi32, #tpu.memory_space<vmem>> -> memref<1x128xi32, #tpu.memory_space<vmem>>
    %dma_start3A_98 = tpu.memref_squeeze %dma_start3A_97 : memref<1x128xi32, #tpu.memory_space<vmem>> -> memref<128xi32, #tpu.memory_space<vmem>>
    %dma_start3A_99 = arith.constant 0 : i32
    %dma_start3A_100 = arith.constant 0 : i32
    %dma_start3A_101 = tpu.memref_slice %arg2[%dma_start3A_99, %dma_start3A_100] : memref<1000000x16xf32, #tpu.memory_space<hbm>> -> memref<1000000x16xf32, #tpu.memory_space<hbm>>
    tpu.enqueue_indirect_dma source(%dma_start3A_101 : memref<1000000x16xf32, #tpu.memory_space<hbm>>) target(%dma_start3A_95 : memref<128x16xf32, #tpu.memory_space<vmem>>) offsets(%dma_start3A_98 : memref<128xi32, #tpu.memory_space<vmem>>) semaphore(%arg7 : memref<!tpu.dma_semaphore, #tpu.memory_space<semaphore_mem>>)
    %dma_start3A_102 = arith.constant 10 : i32
    %dma_start3A_103 = arith.constant 1280 : i32
    %dma_start3A_104 = arith.constant 0 : i32
    %dma_start3A_105 = tpu.memref_slice %arg6[%dma_start3A_103, %dma_start3A_104] : memref<3328x16xf32, #tpu.memory_space<vmem>> -> memref<128x16xf32, #tpu.memory_space<vmem>>
    %dma_start3A_106 = arith.constant 0 : i32
    %dma_start3A_107 = tpu.memref_slice %arg5[%dma_start3A_102, %dma_start3A_106] : memref<26x128xi32, #tpu.memory_space<vmem>> -> memref<1x128xi32, #tpu.memory_space<vmem>>
    %dma_start3A_108 = tpu.memref_squeeze %dma_start3A_107 : memref<1x128xi32, #tpu.memory_space<vmem>> -> memref<128xi32, #tpu.memory_space<vmem>>
    %dma_start3A_109 = arith.constant 0 : i32
    %dma_start3A_110 = arith.constant 0 : i32
    %dma_start3A_111 = tpu.memref_slice %arg2[%dma_start3A_109, %dma_start3A_110] : memref<1000000x16xf32, #tpu.memory_space<hbm>> -> memref<1000000x16xf32, #tpu.memory_space<hbm>>
    tpu.enqueue_indirect_dma source(%dma_start3A_111 : memref<1000000x16xf32, #tpu.memory_space<hbm>>) target(%dma_start3A_105 : memref<128x16xf32, #tpu.memory_space<vmem>>) offsets(%dma_start3A_108 : memref<128xi32, #tpu.memory_space<vmem>>) semaphore(%arg7 : memref<!tpu.dma_semaphore, #tpu.memory_space<semaphore_mem>>)
    %dma_start3A_112 = arith.constant 11 : i32
    %dma_start3A_113 = arith.constant 1408 : i32
    %dma_start3A_114 = arith.constant 0 : i32
    %dma_start3A_115 = tpu.memref_slice %arg6[%dma_start3A_113, %dma_start3A_114] : memref<3328x16xf32, #tpu.memory_space<vmem>> -> memref<128x16xf32, #tpu.memory_space<vmem>>
    %dma_start3A_116 = arith.constant 0 : i32
    %dma_start3A_117 = tpu.memref_slice %arg5[%dma_start3A_112, %dma_start3A_116] : memref<26x128xi32, #tpu.memory_space<vmem>> -> memref<1x128xi32, #tpu.memory_space<vmem>>
    %dma_start3A_118 = tpu.memref_squeeze %dma_start3A_117 : memref<1x128xi32, #tpu.memory_space<vmem>> -> memref<128xi32, #tpu.memory_space<vmem>>
    %dma_start3A_119 = arith.constant 0 : i32
    %dma_start3A_120 = arith.constant 0 : i32
    %dma_start3A_121 = tpu.memref_slice %arg2[%dma_start3A_119, %dma_start3A_120] : memref<1000000x16xf32, #tpu.memory_space<hbm>> -> memref<1000000x16xf32, #tpu.memory_space<hbm>>
    tpu.enqueue_indirect_dma source(%dma_start3A_121 : memref<1000000x16xf32, #tpu.memory_space<hbm>>) target(%dma_start3A_115 : memref<128x16xf32, #tpu.memory_space<vmem>>) offsets(%dma_start3A_118 : memref<128xi32, #tpu.memory_space<vmem>>) semaphore(%arg7 : memref<!tpu.dma_semaphore, #tpu.memory_space<semaphore_mem>>)
    %dma_start3A_122 = arith.constant 12 : i32
    %dma_start3A_123 = arith.constant 1536 : i32
    %dma_start3A_124 = arith.constant 0 : i32
    %dma_start3A_125 = tpu.memref_slice %arg6[%dma_start3A_123, %dma_start3A_124] : memref<3328x16xf32, #tpu.memory_space<vmem>> -> memref<128x16xf32, #tpu.memory_space<vmem>>
    %dma_start3A_126 = arith.constant 0 : i32
    %dma_start3A_127 = tpu.memref_slice %arg5[%dma_start3A_122, %dma_start3A_126] : memref<26x128xi32, #tpu.memory_space<vmem>> -> memref<1x128xi32, #tpu.memory_space<vmem>>
    %dma_start3A_128 = tpu.memref_squeeze %dma_start3A_127 : memref<1x128xi32, #tpu.memory_space<vmem>> -> memref<128xi32, #tpu.memory_space<vmem>>
    %dma_start3A_129 = arith.constant 0 : i32
    %dma_start3A_130 = arith.constant 0 : i32
    %dma_start3A_131 = tpu.memref_slice %arg2[%dma_start3A_129, %dma_start3A_130] : memref<1000000x16xf32, #tpu.memory_space<hbm>> -> memref<1000000x16xf32, #tpu.memory_space<hbm>>
    tpu.enqueue_indirect_dma source(%dma_start3A_131 : memref<1000000x16xf32, #tpu.memory_space<hbm>>) target(%dma_start3A_125 : memref<128x16xf32, #tpu.memory_space<vmem>>) offsets(%dma_start3A_128 : memref<128xi32, #tpu.memory_space<vmem>>) semaphore(%arg7 : memref<!tpu.dma_semaphore, #tpu.memory_space<semaphore_mem>>)
    %dma_start3A_132 = arith.constant 13 : i32
    %dma_start3A_133 = arith.constant 1664 : i32
    %dma_start3A_134 = arith.constant 0 : i32
    %dma_start3A_135 = tpu.memref_slice %arg6[%dma_start3A_133, %dma_start3A_134] : memref<3328x16xf32, #tpu.memory_space<vmem>> -> memref<128x16xf32, #tpu.memory_space<vmem>>
    %dma_start3A_136 = arith.constant 0 : i32
    %dma_start3A_137 = tpu.memref_slice %arg5[%dma_start3A_132, %dma_start3A_136] : memref<26x128xi32, #tpu.memory_space<vmem>> -> memref<1x128xi32, #tpu.memory_space<vmem>>
    %dma_start3A_138 = tpu.memref_squeeze %dma_start3A_137 : memref<1x128xi32, #tpu.memory_space<vmem>> -> memref<128xi32, #tpu.memory_space<vmem>>
    %dma_start3A_139 = arith.constant 0 : i32
    %dma_start3A_140 = arith.constant 0 : i32
    %dma_start3A_141 = tpu.memref_slice %arg2[%dma_start3A_139, %dma_start3A_140] : memref<1000000x16xf32, #tpu.memory_space<hbm>> -> memref<1000000x16xf32, #tpu.memory_space<hbm>>
    tpu.enqueue_indirect_dma source(%dma_start3A_141 : memref<1000000x16xf32, #tpu.memory_space<hbm>>) target(%dma_start3A_135 : memref<128x16xf32, #tpu.memory_space<vmem>>) offsets(%dma_start3A_138 : memref<128xi32, #tpu.memory_space<vmem>>) semaphore(%arg7 : memref<!tpu.dma_semaphore, #tpu.memory_space<semaphore_mem>>)
    %dma_start3A_142 = arith.constant 14 : i32
    %dma_start3A_143 = arith.constant 1792 : i32
    %dma_start3A_144 = arith.constant 0 : i32
    %dma_start3A_145 = tpu.memref_slice %arg6[%dma_start3A_143, %dma_start3A_144] : memref<3328x16xf32, #tpu.memory_space<vmem>> -> memref<128x16xf32, #tpu.memory_space<vmem>>
    %dma_start3A_146 = arith.constant 0 : i32
    %dma_start3A_147 = tpu.memref_slice %arg5[%dma_start3A_142, %dma_start3A_146] : memref<26x128xi32, #tpu.memory_space<vmem>> -> memref<1x128xi32, #tpu.memory_space<vmem>>
    %dma_start3A_148 = tpu.memref_squeeze %dma_start3A_147 : memref<1x128xi32, #tpu.memory_space<vmem>> -> memref<128xi32, #tpu.memory_space<vmem>>
    %dma_start3A_149 = arith.constant 0 : i32
    %dma_start3A_150 = arith.constant 0 : i32
    %dma_start3A_151 = tpu.memref_slice %arg2[%dma_start3A_149, %dma_start3A_150] : memref<1000000x16xf32, #tpu.memory_space<hbm>> -> memref<1000000x16xf32, #tpu.memory_space<hbm>>
    tpu.enqueue_indirect_dma source(%dma_start3A_151 : memref<1000000x16xf32, #tpu.memory_space<hbm>>) target(%dma_start3A_145 : memref<128x16xf32, #tpu.memory_space<vmem>>) offsets(%dma_start3A_148 : memref<128xi32, #tpu.memory_space<vmem>>) semaphore(%arg7 : memref<!tpu.dma_semaphore, #tpu.memory_space<semaphore_mem>>)
    %dma_start3A_152 = arith.constant 15 : i32
    %dma_start3A_153 = arith.constant 1920 : i32
    %dma_start3A_154 = arith.constant 0 : i32
    %dma_start3A_155 = tpu.memref_slice %arg6[%dma_start3A_153, %dma_start3A_154] : memref<3328x16xf32, #tpu.memory_space<vmem>> -> memref<128x16xf32, #tpu.memory_space<vmem>>
    %dma_start3A_156 = arith.constant 0 : i32
    %dma_start3A_157 = tpu.memref_slice %arg5[%dma_start3A_152, %dma_start3A_156] : memref<26x128xi32, #tpu.memory_space<vmem>> -> memref<1x128xi32, #tpu.memory_space<vmem>>
    %dma_start3A_158 = tpu.memref_squeeze %dma_start3A_157 : memref<1x128xi32, #tpu.memory_space<vmem>> -> memref<128xi32, #tpu.memory_space<vmem>>
    %dma_start3A_159 = arith.constant 0 : i32
    %dma_start3A_160 = arith.constant 0 : i32
    %dma_start3A_161 = tpu.memref_slice %arg2[%dma_start3A_159, %dma_start3A_160] : memref<1000000x16xf32, #tpu.memory_space<hbm>> -> memref<1000000x16xf32, #tpu.memory_space<hbm>>
    tpu.enqueue_indirect_dma source(%dma_start3A_161 : memref<1000000x16xf32, #tpu.memory_space<hbm>>) target(%dma_start3A_155 : memref<128x16xf32, #tpu.memory_space<vmem>>) offsets(%dma_start3A_158 : memref<128xi32, #tpu.memory_space<vmem>>) semaphore(%arg7 : memref<!tpu.dma_semaphore, #tpu.memory_space<semaphore_mem>>)
    %dma_start3A_162 = arith.constant 16 : i32
    %dma_start3A_163 = arith.constant 2048 : i32
    %dma_start3A_164 = arith.constant 0 : i32
    %dma_start3A_165 = tpu.memref_slice %arg6[%dma_start3A_163, %dma_start3A_164] : memref<3328x16xf32, #tpu.memory_space<vmem>> -> memref<128x16xf32, #tpu.memory_space<vmem>>
    %dma_start3A_166 = arith.constant 0 : i32
    %dma_start3A_167 = tpu.memref_slice %arg5[%dma_start3A_162, %dma_start3A_166] : memref<26x128xi32, #tpu.memory_space<vmem>> -> memref<1x128xi32, #tpu.memory_space<vmem>>
    %dma_start3A_168 = tpu.memref_squeeze %dma_start3A_167 : memref<1x128xi32, #tpu.memory_space<vmem>> -> memref<128xi32, #tpu.memory_space<vmem>>
    %dma_start3A_169 = arith.constant 0 : i32
    %dma_start3A_170 = arith.constant 0 : i32
    %dma_start3A_171 = tpu.memref_slice %arg2[%dma_start3A_169, %dma_start3A_170] : memref<1000000x16xf32, #tpu.memory_space<hbm>> -> memref<1000000x16xf32, #tpu.memory_space<hbm>>
    tpu.enqueue_indirect_dma source(%dma_start3A_171 : memref<1000000x16xf32, #tpu.memory_space<hbm>>) target(%dma_start3A_165 : memref<128x16xf32, #tpu.memory_space<vmem>>) offsets(%dma_start3A_168 : memref<128xi32, #tpu.memory_space<vmem>>) semaphore(%arg7 : memref<!tpu.dma_semaphore, #tpu.memory_space<semaphore_mem>>)
    %dma_start3A_172 = arith.constant 17 : i32
    %dma_start3A_173 = arith.constant 2176 : i32
    %dma_start3A_174 = arith.constant 0 : i32
    %dma_start3A_175 = tpu.memref_slice %arg6[%dma_start3A_173, %dma_start3A_174] : memref<3328x16xf32, #tpu.memory_space<vmem>> -> memref<128x16xf32, #tpu.memory_space<vmem>>
    %dma_start3A_176 = arith.constant 0 : i32
    %dma_start3A_177 = tpu.memref_slice %arg5[%dma_start3A_172, %dma_start3A_176] : memref<26x128xi32, #tpu.memory_space<vmem>> -> memref<1x128xi32, #tpu.memory_space<vmem>>
    %dma_start3A_178 = tpu.memref_squeeze %dma_start3A_177 : memref<1x128xi32, #tpu.memory_space<vmem>> -> memref<128xi32, #tpu.memory_space<vmem>>
    %dma_start3A_179 = arith.constant 0 : i32
    %dma_start3A_180 = arith.constant 0 : i32
    %dma_start3A_181 = tpu.memref_slice %arg2[%dma_start3A_179, %dma_start3A_180] : memref<1000000x16xf32, #tpu.memory_space<hbm>> -> memref<1000000x16xf32, #tpu.memory_space<hbm>>
    tpu.enqueue_indirect_dma source(%dma_start3A_181 : memref<1000000x16xf32, #tpu.memory_space<hbm>>) target(%dma_start3A_175 : memref<128x16xf32, #tpu.memory_space<vmem>>) offsets(%dma_start3A_178 : memref<128xi32, #tpu.memory_space<vmem>>) semaphore(%arg7 : memref<!tpu.dma_semaphore, #tpu.memory_space<semaphore_mem>>)
    %dma_start3A_182 = arith.constant 18 : i32
    %dma_start3A_183 = arith.constant 2304 : i32
    %dma_start3A_184 = arith.constant 0 : i32
    %dma_start3A_185 = tpu.memref_slice %arg6[%dma_start3A_183, %dma_start3A_184] : memref<3328x16xf32, #tpu.memory_space<vmem>> -> memref<128x16xf32, #tpu.memory_space<vmem>>
    %dma_start3A_186 = arith.constant 0 : i32
    %dma_start3A_187 = tpu.memref_slice %arg5[%dma_start3A_182, %dma_start3A_186] : memref<26x128xi32, #tpu.memory_space<vmem>> -> memref<1x128xi32, #tpu.memory_space<vmem>>
    %dma_start3A_188 = tpu.memref_squeeze %dma_start3A_187 : memref<1x128xi32, #tpu.memory_space<vmem>> -> memref<128xi32, #tpu.memory_space<vmem>>
    %dma_start3A_189 = arith.constant 0 : i32
    %dma_start3A_190 = arith.constant 0 : i32
    %dma_start3A_191 = tpu.memref_slice %arg2[%dma_start3A_189, %dma_start3A_190] : memref<1000000x16xf32, #tpu.memory_space<hbm>> -> memref<1000000x16xf32, #tpu.memory_space<hbm>>
    tpu.enqueue_indirect_dma source(%dma_start3A_191 : memref<1000000x16xf32, #tpu.memory_space<hbm>>) target(%dma_start3A_185 : memref<128x16xf32, #tpu.memory_space<vmem>>) offsets(%dma_start3A_188 : memref<128xi32, #tpu.memory_space<vmem>>) semaphore(%arg7 : memref<!tpu.dma_semaphore, #tpu.memory_space<semaphore_mem>>)
    %dma_start3A_192 = arith.constant 19 : i32
    %dma_start3A_193 = arith.constant 2432 : i32
    %dma_start3A_194 = arith.constant 0 : i32
    %dma_start3A_195 = tpu.memref_slice %arg6[%dma_start3A_193, %dma_start3A_194] : memref<3328x16xf32, #tpu.memory_space<vmem>> -> memref<128x16xf32, #tpu.memory_space<vmem>>
    %dma_start3A_196 = arith.constant 0 : i32
    %dma_start3A_197 = tpu.memref_slice %arg5[%dma_start3A_192, %dma_start3A_196] : memref<26x128xi32, #tpu.memory_space<vmem>> -> memref<1x128xi32, #tpu.memory_space<vmem>>
    %dma_start3A_198 = tpu.memref_squeeze %dma_start3A_197 : memref<1x128xi32, #tpu.memory_space<vmem>> -> memref<128xi32, #tpu.memory_space<vmem>>
    %dma_start3A_199 = arith.constant 0 : i32
    %dma_start3A_200 = arith.constant 0 : i32
    %dma_start3A_201 = tpu.memref_slice %arg2[%dma_start3A_199, %dma_start3A_200] : memref<1000000x16xf32, #tpu.memory_space<hbm>> -> memref<1000000x16xf32, #tpu.memory_space<hbm>>
    tpu.enqueue_indirect_dma source(%dma_start3A_201 : memref<1000000x16xf32, #tpu.memory_space<hbm>>) target(%dma_start3A_195 : memref<128x16xf32, #tpu.memory_space<vmem>>) offsets(%dma_start3A_198 : memref<128xi32, #tpu.memory_space<vmem>>) semaphore(%arg7 : memref<!tpu.dma_semaphore, #tpu.memory_space<semaphore_mem>>)
    %dma_start3A_202 = arith.constant 20 : i32
    %dma_start3A_203 = arith.constant 2560 : i32
    %dma_start3A_204 = arith.constant 0 : i32
    %dma_start3A_205 = tpu.memref_slice %arg6[%dma_start3A_203, %dma_start3A_204] : memref<3328x16xf32, #tpu.memory_space<vmem>> -> memref<128x16xf32, #tpu.memory_space<vmem>>
    %dma_start3A_206 = arith.constant 0 : i32
    %dma_start3A_207 = tpu.memref_slice %arg5[%dma_start3A_202, %dma_start3A_206] : memref<26x128xi32, #tpu.memory_space<vmem>> -> memref<1x128xi32, #tpu.memory_space<vmem>>
    %dma_start3A_208 = tpu.memref_squeeze %dma_start3A_207 : memref<1x128xi32, #tpu.memory_space<vmem>> -> memref<128xi32, #tpu.memory_space<vmem>>
    %dma_start3A_209 = arith.constant 0 : i32
    %dma_start3A_210 = arith.constant 0 : i32
    %dma_start3A_211 = tpu.memref_slice %arg2[%dma_start3A_209, %dma_start3A_210] : memref<1000000x16xf32, #tpu.memory_space<hbm>> -> memref<1000000x16xf32, #tpu.memory_space<hbm>>
    tpu.enqueue_indirect_dma source(%dma_start3A_211 : memref<1000000x16xf32, #tpu.memory_space<hbm>>) target(%dma_start3A_205 : memref<128x16xf32, #tpu.memory_space<vmem>>) offsets(%dma_start3A_208 : memref<128xi32, #tpu.memory_space<vmem>>) semaphore(%arg7 : memref<!tpu.dma_semaphore, #tpu.memory_space<semaphore_mem>>)
    %dma_start3A_212 = arith.constant 21 : i32
    %dma_start3A_213 = arith.constant 2688 : i32
    %dma_start3A_214 = arith.constant 0 : i32
    %dma_start3A_215 = tpu.memref_slice %arg6[%dma_start3A_213, %dma_start3A_214] : memref<3328x16xf32, #tpu.memory_space<vmem>> -> memref<128x16xf32, #tpu.memory_space<vmem>>
    %dma_start3A_216 = arith.constant 0 : i32
    %dma_start3A_217 = tpu.memref_slice %arg5[%dma_start3A_212, %dma_start3A_216] : memref<26x128xi32, #tpu.memory_space<vmem>> -> memref<1x128xi32, #tpu.memory_space<vmem>>
    %dma_start3A_218 = tpu.memref_squeeze %dma_start3A_217 : memref<1x128xi32, #tpu.memory_space<vmem>> -> memref<128xi32, #tpu.memory_space<vmem>>
    %dma_start3A_219 = arith.constant 0 : i32
    %dma_start3A_220 = arith.constant 0 : i32
    %dma_start3A_221 = tpu.memref_slice %arg2[%dma_start3A_219, %dma_start3A_220] : memref<1000000x16xf32, #tpu.memory_space<hbm>> -> memref<1000000x16xf32, #tpu.memory_space<hbm>>
    tpu.enqueue_indirect_dma source(%dma_start3A_221 : memref<1000000x16xf32, #tpu.memory_space<hbm>>) target(%dma_start3A_215 : memref<128x16xf32, #tpu.memory_space<vmem>>) offsets(%dma_start3A_218 : memref<128xi32, #tpu.memory_space<vmem>>) semaphore(%arg7 : memref<!tpu.dma_semaphore, #tpu.memory_space<semaphore_mem>>)
    %dma_start3A_222 = arith.constant 22 : i32
    %dma_start3A_223 = arith.constant 2816 : i32
    %dma_start3A_224 = arith.constant 0 : i32
    %dma_start3A_225 = tpu.memref_slice %arg6[%dma_start3A_223, %dma_start3A_224] : memref<3328x16xf32, #tpu.memory_space<vmem>> -> memref<128x16xf32, #tpu.memory_space<vmem>>
    %dma_start3A_226 = arith.constant 0 : i32
    %dma_start3A_227 = tpu.memref_slice %arg5[%dma_start3A_222, %dma_start3A_226] : memref<26x128xi32, #tpu.memory_space<vmem>> -> memref<1x128xi32, #tpu.memory_space<vmem>>
    %dma_start3A_228 = tpu.memref_squeeze %dma_start3A_227 : memref<1x128xi32, #tpu.memory_space<vmem>> -> memref<128xi32, #tpu.memory_space<vmem>>
    %dma_start3A_229 = arith.constant 0 : i32
    %dma_start3A_230 = arith.constant 0 : i32
    %dma_start3A_231 = tpu.memref_slice %arg2[%dma_start3A_229, %dma_start3A_230] : memref<1000000x16xf32, #tpu.memory_space<hbm>> -> memref<1000000x16xf32, #tpu.memory_space<hbm>>
    tpu.enqueue_indirect_dma source(%dma_start3A_231 : memref<1000000x16xf32, #tpu.memory_space<hbm>>) target(%dma_start3A_225 : memref<128x16xf32, #tpu.memory_space<vmem>>) offsets(%dma_start3A_228 : memref<128xi32, #tpu.memory_space<vmem>>) semaphore(%arg7 : memref<!tpu.dma_semaphore, #tpu.memory_space<semaphore_mem>>)
    %dma_start3A_232 = arith.constant 23 : i32
    %dma_start3A_233 = arith.constant 2944 : i32
    %dma_start3A_234 = arith.constant 0 : i32
    %dma_start3A_235 = tpu.memref_slice %arg6[%dma_start3A_233, %dma_start3A_234] : memref<3328x16xf32, #tpu.memory_space<vmem>> -> memref<128x16xf32, #tpu.memory_space<vmem>>
    %dma_start3A_236 = arith.constant 0 : i32
    %dma_start3A_237 = tpu.memref_slice %arg5[%dma_start3A_232, %dma_start3A_236] : memref<26x128xi32, #tpu.memory_space<vmem>> -> memref<1x128xi32, #tpu.memory_space<vmem>>
    %dma_start3A_238 = tpu.memref_squeeze %dma_start3A_237 : memref<1x128xi32, #tpu.memory_space<vmem>> -> memref<128xi32, #tpu.memory_space<vmem>>
    %dma_start3A_239 = arith.constant 0 : i32
    %dma_start3A_240 = arith.constant 0 : i32
    %dma_start3A_241 = tpu.memref_slice %arg2[%dma_start3A_239, %dma_start3A_240] : memref<1000000x16xf32, #tpu.memory_space<hbm>> -> memref<1000000x16xf32, #tpu.memory_space<hbm>>
    tpu.enqueue_indirect_dma source(%dma_start3A_241 : memref<1000000x16xf32, #tpu.memory_space<hbm>>) target(%dma_start3A_235 : memref<128x16xf32, #tpu.memory_space<vmem>>) offsets(%dma_start3A_238 : memref<128xi32, #tpu.memory_space<vmem>>) semaphore(%arg7 : memref<!tpu.dma_semaphore, #tpu.memory_space<semaphore_mem>>)
    %dma_start3A_242 = arith.constant 24 : i32
    %dma_start3A_243 = arith.constant 3072 : i32
    %dma_start3A_244 = arith.constant 0 : i32
    %dma_start3A_245 = tpu.memref_slice %arg6[%dma_start3A_243, %dma_start3A_244] : memref<3328x16xf32, #tpu.memory_space<vmem>> -> memref<128x16xf32, #tpu.memory_space<vmem>>
    %dma_start3A_246 = arith.constant 0 : i32
    %dma_start3A_247 = tpu.memref_slice %arg5[%dma_start3A_242, %dma_start3A_246] : memref<26x128xi32, #tpu.memory_space<vmem>> -> memref<1x128xi32, #tpu.memory_space<vmem>>
    %dma_start3A_248 = tpu.memref_squeeze %dma_start3A_247 : memref<1x128xi32, #tpu.memory_space<vmem>> -> memref<128xi32, #tpu.memory_space<vmem>>
    %dma_start3A_249 = arith.constant 0 : i32
    %dma_start3A_250 = arith.constant 0 : i32
    %dma_start3A_251 = tpu.memref_slice %arg2[%dma_start3A_249, %dma_start3A_250] : memref<1000000x16xf32, #tpu.memory_space<hbm>> -> memref<1000000x16xf32, #tpu.memory_space<hbm>>
    tpu.enqueue_indirect_dma source(%dma_start3A_251 : memref<1000000x16xf32, #tpu.memory_space<hbm>>) target(%dma_start3A_245 : memref<128x16xf32, #tpu.memory_space<vmem>>) offsets(%dma_start3A_248 : memref<128xi32, #tpu.memory_space<vmem>>) semaphore(%arg7 : memref<!tpu.dma_semaphore, #tpu.memory_space<semaphore_mem>>)
    %dma_start3A_252 = arith.constant 25 : i32
    %dma_start3A_253 = arith.constant 3200 : i32
    %dma_start3A_254 = arith.constant 0 : i32
    %dma_start3A_255 = tpu.memref_slice %arg6[%dma_start3A_253, %dma_start3A_254] : memref<3328x16xf32, #tpu.memory_space<vmem>> -> memref<128x16xf32, #tpu.memory_space<vmem>>
    %dma_start3A_256 = arith.constant 0 : i32
    %dma_start3A_257 = tpu.memref_slice %arg5[%dma_start3A_252, %dma_start3A_256] : memref<26x128xi32, #tpu.memory_space<vmem>> -> memref<1x128xi32, #tpu.memory_space<vmem>>
    %dma_start3A_258 = tpu.memref_squeeze %dma_start3A_257 : memref<1x128xi32, #tpu.memory_space<vmem>> -> memref<128xi32, #tpu.memory_space<vmem>>
    %dma_start3A_259 = arith.constant 0 : i32
    %dma_start3A_260 = arith.constant 0 : i32
    %dma_start3A_261 = tpu.memref_slice %arg2[%dma_start3A_259, %dma_start3A_260] : memref<1000000x16xf32, #tpu.memory_space<hbm>> -> memref<1000000x16xf32, #tpu.memory_space<hbm>>
    tpu.enqueue_indirect_dma source(%dma_start3A_261 : memref<1000000x16xf32, #tpu.memory_space<hbm>>) target(%dma_start3A_255 : memref<128x16xf32, #tpu.memory_space<vmem>>) offsets(%dma_start3A_258 : memref<128xi32, #tpu.memory_space<vmem>>) semaphore(%arg7 : memref<!tpu.dma_semaphore, #tpu.memory_space<semaphore_mem>>)
    %dma_wait3A = arith.constant 0 : i32
    %dma_wait3A_262 = arith.constant 0 : i32
    %dma_wait3A_263 = arith.constant 0 : i32
    %dma_wait3A_264 = tpu.memref_slice %arg6[%dma_wait3A_262, %dma_wait3A_263] : memref<3328x16xf32, #tpu.memory_space<vmem>> -> memref<128x16xf32, #tpu.memory_space<vmem>>
    %dma_wait3A_265 = arith.constant 0 : i32
    %dma_wait3A_266 = tpu.memref_slice %arg5[%dma_wait3A, %dma_wait3A_265] : memref<26x128xi32, #tpu.memory_space<vmem>> -> memref<1x128xi32, #tpu.memory_space<vmem>>
    %dma_wait3A_267 = tpu.memref_squeeze %dma_wait3A_266 : memref<1x128xi32, #tpu.memory_space<vmem>> -> memref<128xi32, #tpu.memory_space<vmem>>
    %dma_wait3A_268 = arith.constant 0 : i32
    %dma_wait3A_269 = arith.constant 0 : i32
    %dma_wait3A_270 = tpu.memref_slice %arg2[%dma_wait3A_268, %dma_wait3A_269] : memref<1000000x16xf32, #tpu.memory_space<hbm>> -> memref<1000000x16xf32, #tpu.memory_space<hbm>>
    tpu.wait_indirect_dma semaphore(%arg7 : memref<!tpu.dma_semaphore, #tpu.memory_space<semaphore_mem>>) src(%dma_wait3A_270 : memref<1000000x16xf32, #tpu.memory_space<hbm>>) dst(%dma_wait3A_264 : memref<128x16xf32, #tpu.memory_space<vmem>>)
    %dma_wait3A_271 = arith.constant 1 : i32
    %dma_wait3A_272 = arith.constant 128 : i32
    %dma_wait3A_273 = arith.constant 0 : i32
    %dma_wait3A_274 = tpu.memref_slice %arg6[%dma_wait3A_272, %dma_wait3A_273] : memref<3328x16xf32, #tpu.memory_space<vmem>> -> memref<128x16xf32, #tpu.memory_space<vmem>>
    %dma_wait3A_275 = arith.constant 0 : i32
    %dma_wait3A_276 = tpu.memref_slice %arg5[%dma_wait3A_271, %dma_wait3A_275] : memref<26x128xi32, #tpu.memory_space<vmem>> -> memref<1x128xi32, #tpu.memory_space<vmem>>
    %dma_wait3A_277 = tpu.memref_squeeze %dma_wait3A_276 : memref<1x128xi32, #tpu.memory_space<vmem>> -> memref<128xi32, #tpu.memory_space<vmem>>
    %dma_wait3A_278 = arith.constant 0 : i32
    %dma_wait3A_279 = arith.constant 0 : i32
    %dma_wait3A_280 = tpu.memref_slice %arg2[%dma_wait3A_278, %dma_wait3A_279] : memref<1000000x16xf32, #tpu.memory_space<hbm>> -> memref<1000000x16xf32, #tpu.memory_space<hbm>>
    tpu.wait_indirect_dma semaphore(%arg7 : memref<!tpu.dma_semaphore, #tpu.memory_space<semaphore_mem>>) src(%dma_wait3A_280 : memref<1000000x16xf32, #tpu.memory_space<hbm>>) dst(%dma_wait3A_274 : memref<128x16xf32, #tpu.memory_space<vmem>>)
    %dma_wait3A_281 = arith.constant 2 : i32
    %dma_wait3A_282 = arith.constant 256 : i32
    %dma_wait3A_283 = arith.constant 0 : i32
    %dma_wait3A_284 = tpu.memref_slice %arg6[%dma_wait3A_282, %dma_wait3A_283] : memref<3328x16xf32, #tpu.memory_space<vmem>> -> memref<128x16xf32, #tpu.memory_space<vmem>>
    %dma_wait3A_285 = arith.constant 0 : i32
    %dma_wait3A_286 = tpu.memref_slice %arg5[%dma_wait3A_281, %dma_wait3A_285] : memref<26x128xi32, #tpu.memory_space<vmem>> -> memref<1x128xi32, #tpu.memory_space<vmem>>
    %dma_wait3A_287 = tpu.memref_squeeze %dma_wait3A_286 : memref<1x128xi32, #tpu.memory_space<vmem>> -> memref<128xi32, #tpu.memory_space<vmem>>
    %dma_wait3A_288 = arith.constant 0 : i32
    %dma_wait3A_289 = arith.constant 0 : i32
    %dma_wait3A_290 = tpu.memref_slice %arg2[%dma_wait3A_288, %dma_wait3A_289] : memref<1000000x16xf32, #tpu.memory_space<hbm>> -> memref<1000000x16xf32, #tpu.memory_space<hbm>>
    tpu.wait_indirect_dma semaphore(%arg7 : memref<!tpu.dma_semaphore, #tpu.memory_space<semaphore_mem>>) src(%dma_wait3A_290 : memref<1000000x16xf32, #tpu.memory_space<hbm>>) dst(%dma_wait3A_284 : memref<128x16xf32, #tpu.memory_space<vmem>>)
    %dma_wait3A_291 = arith.constant 3 : i32
    %dma_wait3A_292 = arith.constant 384 : i32
    %dma_wait3A_293 = arith.constant 0 : i32
    %dma_wait3A_294 = tpu.memref_slice %arg6[%dma_wait3A_292, %dma_wait3A_293] : memref<3328x16xf32, #tpu.memory_space<vmem>> -> memref<128x16xf32, #tpu.memory_space<vmem>>
    %dma_wait3A_295 = arith.constant 0 : i32
    %dma_wait3A_296 = tpu.memref_slice %arg5[%dma_wait3A_291, %dma_wait3A_295] : memref<26x128xi32, #tpu.memory_space<vmem>> -> memref<1x128xi32, #tpu.memory_space<vmem>>
    %dma_wait3A_297 = tpu.memref_squeeze %dma_wait3A_296 : memref<1x128xi32, #tpu.memory_space<vmem>> -> memref<128xi32, #tpu.memory_space<vmem>>
    %dma_wait3A_298 = arith.constant 0 : i32
    %dma_wait3A_299 = arith.constant 0 : i32
    %dma_wait3A_300 = tpu.memref_slice %arg2[%dma_wait3A_298, %dma_wait3A_299] : memref<1000000x16xf32, #tpu.memory_space<hbm>> -> memref<1000000x16xf32, #tpu.memory_space<hbm>>
    tpu.wait_indirect_dma semaphore(%arg7 : memref<!tpu.dma_semaphore, #tpu.memory_space<semaphore_mem>>) src(%dma_wait3A_300 : memref<1000000x16xf32, #tpu.memory_space<hbm>>) dst(%dma_wait3A_294 : memref<128x16xf32, #tpu.memory_space<vmem>>)
    %dma_wait3A_301 = arith.constant 4 : i32
    %dma_wait3A_302 = arith.constant 512 : i32
    %dma_wait3A_303 = arith.constant 0 : i32
    %dma_wait3A_304 = tpu.memref_slice %arg6[%dma_wait3A_302, %dma_wait3A_303] : memref<3328x16xf32, #tpu.memory_space<vmem>> -> memref<128x16xf32, #tpu.memory_space<vmem>>
    %dma_wait3A_305 = arith.constant 0 : i32
    %dma_wait3A_306 = tpu.memref_slice %arg5[%dma_wait3A_301, %dma_wait3A_305] : memref<26x128xi32, #tpu.memory_space<vmem>> -> memref<1x128xi32, #tpu.memory_space<vmem>>
    %dma_wait3A_307 = tpu.memref_squeeze %dma_wait3A_306 : memref<1x128xi32, #tpu.memory_space<vmem>> -> memref<128xi32, #tpu.memory_space<vmem>>
    %dma_wait3A_308 = arith.constant 0 : i32
    %dma_wait3A_309 = arith.constant 0 : i32
    %dma_wait3A_310 = tpu.memref_slice %arg2[%dma_wait3A_308, %dma_wait3A_309] : memref<1000000x16xf32, #tpu.memory_space<hbm>> -> memref<1000000x16xf32, #tpu.memory_space<hbm>>
    tpu.wait_indirect_dma semaphore(%arg7 : memref<!tpu.dma_semaphore, #tpu.memory_space<semaphore_mem>>) src(%dma_wait3A_310 : memref<1000000x16xf32, #tpu.memory_space<hbm>>) dst(%dma_wait3A_304 : memref<128x16xf32, #tpu.memory_space<vmem>>)
    %dma_wait3A_311 = arith.constant 5 : i32
    %dma_wait3A_312 = arith.constant 640 : i32
    %dma_wait3A_313 = arith.constant 0 : i32
    %dma_wait3A_314 = tpu.memref_slice %arg6[%dma_wait3A_312, %dma_wait3A_313] : memref<3328x16xf32, #tpu.memory_space<vmem>> -> memref<128x16xf32, #tpu.memory_space<vmem>>
    %dma_wait3A_315 = arith.constant 0 : i32
    %dma_wait3A_316 = tpu.memref_slice %arg5[%dma_wait3A_311, %dma_wait3A_315] : memref<26x128xi32, #tpu.memory_space<vmem>> -> memref<1x128xi32, #tpu.memory_space<vmem>>
    %dma_wait3A_317 = tpu.memref_squeeze %dma_wait3A_316 : memref<1x128xi32, #tpu.memory_space<vmem>> -> memref<128xi32, #tpu.memory_space<vmem>>
    %dma_wait3A_318 = arith.constant 0 : i32
    %dma_wait3A_319 = arith.constant 0 : i32
    %dma_wait3A_320 = tpu.memref_slice %arg2[%dma_wait3A_318, %dma_wait3A_319] : memref<1000000x16xf32, #tpu.memory_space<hbm>> -> memref<1000000x16xf32, #tpu.memory_space<hbm>>
    tpu.wait_indirect_dma semaphore(%arg7 : memref<!tpu.dma_semaphore, #tpu.memory_space<semaphore_mem>>) src(%dma_wait3A_320 : memref<1000000x16xf32, #tpu.memory_space<hbm>>) dst(%dma_wait3A_314 : memref<128x16xf32, #tpu.memory_space<vmem>>)
    %dma_wait3A_321 = arith.constant 6 : i32
    %dma_wait3A_322 = arith.constant 768 : i32
    %dma_wait3A_323 = arith.constant 0 : i32
    %dma_wait3A_324 = tpu.memref_slice %arg6[%dma_wait3A_322, %dma_wait3A_323] : memref<3328x16xf32, #tpu.memory_space<vmem>> -> memref<128x16xf32, #tpu.memory_space<vmem>>
    %dma_wait3A_325 = arith.constant 0 : i32
    %dma_wait3A_326 = tpu.memref_slice %arg5[%dma_wait3A_321, %dma_wait3A_325] : memref<26x128xi32, #tpu.memory_space<vmem>> -> memref<1x128xi32, #tpu.memory_space<vmem>>
    %dma_wait3A_327 = tpu.memref_squeeze %dma_wait3A_326 : memref<1x128xi32, #tpu.memory_space<vmem>> -> memref<128xi32, #tpu.memory_space<vmem>>
    %dma_wait3A_328 = arith.constant 0 : i32
    %dma_wait3A_329 = arith.constant 0 : i32
    %dma_wait3A_330 = tpu.memref_slice %arg2[%dma_wait3A_328, %dma_wait3A_329] : memref<1000000x16xf32, #tpu.memory_space<hbm>> -> memref<1000000x16xf32, #tpu.memory_space<hbm>>
    tpu.wait_indirect_dma semaphore(%arg7 : memref<!tpu.dma_semaphore, #tpu.memory_space<semaphore_mem>>) src(%dma_wait3A_330 : memref<1000000x16xf32, #tpu.memory_space<hbm>>) dst(%dma_wait3A_324 : memref<128x16xf32, #tpu.memory_space<vmem>>)
    %dma_wait3A_331 = arith.constant 7 : i32
    %dma_wait3A_332 = arith.constant 896 : i32
    %dma_wait3A_333 = arith.constant 0 : i32
    %dma_wait3A_334 = tpu.memref_slice %arg6[%dma_wait3A_332, %dma_wait3A_333] : memref<3328x16xf32, #tpu.memory_space<vmem>> -> memref<128x16xf32, #tpu.memory_space<vmem>>
    %dma_wait3A_335 = arith.constant 0 : i32
    %dma_wait3A_336 = tpu.memref_slice %arg5[%dma_wait3A_331, %dma_wait3A_335] : memref<26x128xi32, #tpu.memory_space<vmem>> -> memref<1x128xi32, #tpu.memory_space<vmem>>
    %dma_wait3A_337 = tpu.memref_squeeze %dma_wait3A_336 : memref<1x128xi32, #tpu.memory_space<vmem>> -> memref<128xi32, #tpu.memory_space<vmem>>
    %dma_wait3A_338 = arith.constant 0 : i32
    %dma_wait3A_339 = arith.constant 0 : i32
    %dma_wait3A_340 = tpu.memref_slice %arg2[%dma_wait3A_338, %dma_wait3A_339] : memref<1000000x16xf32, #tpu.memory_space<hbm>> -> memref<1000000x16xf32, #tpu.memory_space<hbm>>
    tpu.wait_indirect_dma semaphore(%arg7 : memref<!tpu.dma_semaphore, #tpu.memory_space<semaphore_mem>>) src(%dma_wait3A_340 : memref<1000000x16xf32, #tpu.memory_space<hbm>>) dst(%dma_wait3A_334 : memref<128x16xf32, #tpu.memory_space<vmem>>)
    %dma_wait3A_341 = arith.constant 8 : i32
    %dma_wait3A_342 = arith.constant 1024 : i32
    %dma_wait3A_343 = arith.constant 0 : i32
    %dma_wait3A_344 = tpu.memref_slice %arg6[%dma_wait3A_342, %dma_wait3A_343] : memref<3328x16xf32, #tpu.memory_space<vmem>> -> memref<128x16xf32, #tpu.memory_space<vmem>>
    %dma_wait3A_345 = arith.constant 0 : i32
    %dma_wait3A_346 = tpu.memref_slice %arg5[%dma_wait3A_341, %dma_wait3A_345] : memref<26x128xi32, #tpu.memory_space<vmem>> -> memref<1x128xi32, #tpu.memory_space<vmem>>
    %dma_wait3A_347 = tpu.memref_squeeze %dma_wait3A_346 : memref<1x128xi32, #tpu.memory_space<vmem>> -> memref<128xi32, #tpu.memory_space<vmem>>
    %dma_wait3A_348 = arith.constant 0 : i32
    %dma_wait3A_349 = arith.constant 0 : i32
    %dma_wait3A_350 = tpu.memref_slice %arg2[%dma_wait3A_348, %dma_wait3A_349] : memref<1000000x16xf32, #tpu.memory_space<hbm>> -> memref<1000000x16xf32, #tpu.memory_space<hbm>>
    tpu.wait_indirect_dma semaphore(%arg7 : memref<!tpu.dma_semaphore, #tpu.memory_space<semaphore_mem>>) src(%dma_wait3A_350 : memref<1000000x16xf32, #tpu.memory_space<hbm>>) dst(%dma_wait3A_344 : memref<128x16xf32, #tpu.memory_space<vmem>>)
    %dma_wait3A_351 = arith.constant 9 : i32
    %dma_wait3A_352 = arith.constant 1152 : i32
    %dma_wait3A_353 = arith.constant 0 : i32
    %dma_wait3A_354 = tpu.memref_slice %arg6[%dma_wait3A_352, %dma_wait3A_353] : memref<3328x16xf32, #tpu.memory_space<vmem>> -> memref<128x16xf32, #tpu.memory_space<vmem>>
    %dma_wait3A_355 = arith.constant 0 : i32
    %dma_wait3A_356 = tpu.memref_slice %arg5[%dma_wait3A_351, %dma_wait3A_355] : memref<26x128xi32, #tpu.memory_space<vmem>> -> memref<1x128xi32, #tpu.memory_space<vmem>>
    %dma_wait3A_357 = tpu.memref_squeeze %dma_wait3A_356 : memref<1x128xi32, #tpu.memory_space<vmem>> -> memref<128xi32, #tpu.memory_space<vmem>>
    %dma_wait3A_358 = arith.constant 0 : i32
    %dma_wait3A_359 = arith.constant 0 : i32
    %dma_wait3A_360 = tpu.memref_slice %arg2[%dma_wait3A_358, %dma_wait3A_359] : memref<1000000x16xf32, #tpu.memory_space<hbm>> -> memref<1000000x16xf32, #tpu.memory_space<hbm>>
    tpu.wait_indirect_dma semaphore(%arg7 : memref<!tpu.dma_semaphore, #tpu.memory_space<semaphore_mem>>) src(%dma_wait3A_360 : memref<1000000x16xf32, #tpu.memory_space<hbm>>) dst(%dma_wait3A_354 : memref<128x16xf32, #tpu.memory_space<vmem>>)
    %dma_wait3A_361 = arith.constant 10 : i32
    %dma_wait3A_362 = arith.constant 1280 : i32
    %dma_wait3A_363 = arith.constant 0 : i32
    %dma_wait3A_364 = tpu.memref_slice %arg6[%dma_wait3A_362, %dma_wait3A_363] : memref<3328x16xf32, #tpu.memory_space<vmem>> -> memref<128x16xf32, #tpu.memory_space<vmem>>
    %dma_wait3A_365 = arith.constant 0 : i32
    %dma_wait3A_366 = tpu.memref_slice %arg5[%dma_wait3A_361, %dma_wait3A_365] : memref<26x128xi32, #tpu.memory_space<vmem>> -> memref<1x128xi32, #tpu.memory_space<vmem>>
    %dma_wait3A_367 = tpu.memref_squeeze %dma_wait3A_366 : memref<1x128xi32, #tpu.memory_space<vmem>> -> memref<128xi32, #tpu.memory_space<vmem>>
    %dma_wait3A_368 = arith.constant 0 : i32
    %dma_wait3A_369 = arith.constant 0 : i32
    %dma_wait3A_370 = tpu.memref_slice %arg2[%dma_wait3A_368, %dma_wait3A_369] : memref<1000000x16xf32, #tpu.memory_space<hbm>> -> memref<1000000x16xf32, #tpu.memory_space<hbm>>
    tpu.wait_indirect_dma semaphore(%arg7 : memref<!tpu.dma_semaphore, #tpu.memory_space<semaphore_mem>>) src(%dma_wait3A_370 : memref<1000000x16xf32, #tpu.memory_space<hbm>>) dst(%dma_wait3A_364 : memref<128x16xf32, #tpu.memory_space<vmem>>)
    %dma_wait3A_371 = arith.constant 11 : i32
    %dma_wait3A_372 = arith.constant 1408 : i32
    %dma_wait3A_373 = arith.constant 0 : i32
    %dma_wait3A_374 = tpu.memref_slice %arg6[%dma_wait3A_372, %dma_wait3A_373] : memref<3328x16xf32, #tpu.memory_space<vmem>> -> memref<128x16xf32, #tpu.memory_space<vmem>>
    %dma_wait3A_375 = arith.constant 0 : i32
    %dma_wait3A_376 = tpu.memref_slice %arg5[%dma_wait3A_371, %dma_wait3A_375] : memref<26x128xi32, #tpu.memory_space<vmem>> -> memref<1x128xi32, #tpu.memory_space<vmem>>
    %dma_wait3A_377 = tpu.memref_squeeze %dma_wait3A_376 : memref<1x128xi32, #tpu.memory_space<vmem>> -> memref<128xi32, #tpu.memory_space<vmem>>
    %dma_wait3A_378 = arith.constant 0 : i32
    %dma_wait3A_379 = arith.constant 0 : i32
    %dma_wait3A_380 = tpu.memref_slice %arg2[%dma_wait3A_378, %dma_wait3A_379] : memref<1000000x16xf32, #tpu.memory_space<hbm>> -> memref<1000000x16xf32, #tpu.memory_space<hbm>>
    tpu.wait_indirect_dma semaphore(%arg7 : memref<!tpu.dma_semaphore, #tpu.memory_space<semaphore_mem>>) src(%dma_wait3A_380 : memref<1000000x16xf32, #tpu.memory_space<hbm>>) dst(%dma_wait3A_374 : memref<128x16xf32, #tpu.memory_space<vmem>>)
    %dma_wait3A_381 = arith.constant 12 : i32
    %dma_wait3A_382 = arith.constant 1536 : i32
    %dma_wait3A_383 = arith.constant 0 : i32
    %dma_wait3A_384 = tpu.memref_slice %arg6[%dma_wait3A_382, %dma_wait3A_383] : memref<3328x16xf32, #tpu.memory_space<vmem>> -> memref<128x16xf32, #tpu.memory_space<vmem>>
    %dma_wait3A_385 = arith.constant 0 : i32
    %dma_wait3A_386 = tpu.memref_slice %arg5[%dma_wait3A_381, %dma_wait3A_385] : memref<26x128xi32, #tpu.memory_space<vmem>> -> memref<1x128xi32, #tpu.memory_space<vmem>>
    %dma_wait3A_387 = tpu.memref_squeeze %dma_wait3A_386 : memref<1x128xi32, #tpu.memory_space<vmem>> -> memref<128xi32, #tpu.memory_space<vmem>>
    %dma_wait3A_388 = arith.constant 0 : i32
    %dma_wait3A_389 = arith.constant 0 : i32
    %dma_wait3A_390 = tpu.memref_slice %arg2[%dma_wait3A_388, %dma_wait3A_389] : memref<1000000x16xf32, #tpu.memory_space<hbm>> -> memref<1000000x16xf32, #tpu.memory_space<hbm>>
    tpu.wait_indirect_dma semaphore(%arg7 : memref<!tpu.dma_semaphore, #tpu.memory_space<semaphore_mem>>) src(%dma_wait3A_390 : memref<1000000x16xf32, #tpu.memory_space<hbm>>) dst(%dma_wait3A_384 : memref<128x16xf32, #tpu.memory_space<vmem>>)
    %dma_wait3A_391 = arith.constant 13 : i32
    %dma_wait3A_392 = arith.constant 1664 : i32
    %dma_wait3A_393 = arith.constant 0 : i32
    %dma_wait3A_394 = tpu.memref_slice %arg6[%dma_wait3A_392, %dma_wait3A_393] : memref<3328x16xf32, #tpu.memory_space<vmem>> -> memref<128x16xf32, #tpu.memory_space<vmem>>
    %dma_wait3A_395 = arith.constant 0 : i32
    %dma_wait3A_396 = tpu.memref_slice %arg5[%dma_wait3A_391, %dma_wait3A_395] : memref<26x128xi32, #tpu.memory_space<vmem>> -> memref<1x128xi32, #tpu.memory_space<vmem>>
    %dma_wait3A_397 = tpu.memref_squeeze %dma_wait3A_396 : memref<1x128xi32, #tpu.memory_space<vmem>> -> memref<128xi32, #tpu.memory_space<vmem>>
    %dma_wait3A_398 = arith.constant 0 : i32
    %dma_wait3A_399 = arith.constant 0 : i32
    %dma_wait3A_400 = tpu.memref_slice %arg2[%dma_wait3A_398, %dma_wait3A_399] : memref<1000000x16xf32, #tpu.memory_space<hbm>> -> memref<1000000x16xf32, #tpu.memory_space<hbm>>
    tpu.wait_indirect_dma semaphore(%arg7 : memref<!tpu.dma_semaphore, #tpu.memory_space<semaphore_mem>>) src(%dma_wait3A_400 : memref<1000000x16xf32, #tpu.memory_space<hbm>>) dst(%dma_wait3A_394 : memref<128x16xf32, #tpu.memory_space<vmem>>)
    %dma_wait3A_401 = arith.constant 14 : i32
    %dma_wait3A_402 = arith.constant 1792 : i32
    %dma_wait3A_403 = arith.constant 0 : i32
    %dma_wait3A_404 = tpu.memref_slice %arg6[%dma_wait3A_402, %dma_wait3A_403] : memref<3328x16xf32, #tpu.memory_space<vmem>> -> memref<128x16xf32, #tpu.memory_space<vmem>>
    %dma_wait3A_405 = arith.constant 0 : i32
    %dma_wait3A_406 = tpu.memref_slice %arg5[%dma_wait3A_401, %dma_wait3A_405] : memref<26x128xi32, #tpu.memory_space<vmem>> -> memref<1x128xi32, #tpu.memory_space<vmem>>
    %dma_wait3A_407 = tpu.memref_squeeze %dma_wait3A_406 : memref<1x128xi32, #tpu.memory_space<vmem>> -> memref<128xi32, #tpu.memory_space<vmem>>
    %dma_wait3A_408 = arith.constant 0 : i32
    %dma_wait3A_409 = arith.constant 0 : i32
    %dma_wait3A_410 = tpu.memref_slice %arg2[%dma_wait3A_408, %dma_wait3A_409] : memref<1000000x16xf32, #tpu.memory_space<hbm>> -> memref<1000000x16xf32, #tpu.memory_space<hbm>>
    tpu.wait_indirect_dma semaphore(%arg7 : memref<!tpu.dma_semaphore, #tpu.memory_space<semaphore_mem>>) src(%dma_wait3A_410 : memref<1000000x16xf32, #tpu.memory_space<hbm>>) dst(%dma_wait3A_404 : memref<128x16xf32, #tpu.memory_space<vmem>>)
    %dma_wait3A_411 = arith.constant 15 : i32
    %dma_wait3A_412 = arith.constant 1920 : i32
    %dma_wait3A_413 = arith.constant 0 : i32
    %dma_wait3A_414 = tpu.memref_slice %arg6[%dma_wait3A_412, %dma_wait3A_413] : memref<3328x16xf32, #tpu.memory_space<vmem>> -> memref<128x16xf32, #tpu.memory_space<vmem>>
    %dma_wait3A_415 = arith.constant 0 : i32
    %dma_wait3A_416 = tpu.memref_slice %arg5[%dma_wait3A_411, %dma_wait3A_415] : memref<26x128xi32, #tpu.memory_space<vmem>> -> memref<1x128xi32, #tpu.memory_space<vmem>>
    %dma_wait3A_417 = tpu.memref_squeeze %dma_wait3A_416 : memref<1x128xi32, #tpu.memory_space<vmem>> -> memref<128xi32, #tpu.memory_space<vmem>>
    %dma_wait3A_418 = arith.constant 0 : i32
    %dma_wait3A_419 = arith.constant 0 : i32
    %dma_wait3A_420 = tpu.memref_slice %arg2[%dma_wait3A_418, %dma_wait3A_419] : memref<1000000x16xf32, #tpu.memory_space<hbm>> -> memref<1000000x16xf32, #tpu.memory_space<hbm>>
    tpu.wait_indirect_dma semaphore(%arg7 : memref<!tpu.dma_semaphore, #tpu.memory_space<semaphore_mem>>) src(%dma_wait3A_420 : memref<1000000x16xf32, #tpu.memory_space<hbm>>) dst(%dma_wait3A_414 : memref<128x16xf32, #tpu.memory_space<vmem>>)
    %dma_wait3A_421 = arith.constant 16 : i32
    %dma_wait3A_422 = arith.constant 2048 : i32
    %dma_wait3A_423 = arith.constant 0 : i32
    %dma_wait3A_424 = tpu.memref_slice %arg6[%dma_wait3A_422, %dma_wait3A_423] : memref<3328x16xf32, #tpu.memory_space<vmem>> -> memref<128x16xf32, #tpu.memory_space<vmem>>
    %dma_wait3A_425 = arith.constant 0 : i32
    %dma_wait3A_426 = tpu.memref_slice %arg5[%dma_wait3A_421, %dma_wait3A_425] : memref<26x128xi32, #tpu.memory_space<vmem>> -> memref<1x128xi32, #tpu.memory_space<vmem>>
    %dma_wait3A_427 = tpu.memref_squeeze %dma_wait3A_426 : memref<1x128xi32, #tpu.memory_space<vmem>> -> memref<128xi32, #tpu.memory_space<vmem>>
    %dma_wait3A_428 = arith.constant 0 : i32
    %dma_wait3A_429 = arith.constant 0 : i32
    %dma_wait3A_430 = tpu.memref_slice %arg2[%dma_wait3A_428, %dma_wait3A_429] : memref<1000000x16xf32, #tpu.memory_space<hbm>> -> memref<1000000x16xf32, #tpu.memory_space<hbm>>
    tpu.wait_indirect_dma semaphore(%arg7 : memref<!tpu.dma_semaphore, #tpu.memory_space<semaphore_mem>>) src(%dma_wait3A_430 : memref<1000000x16xf32, #tpu.memory_space<hbm>>) dst(%dma_wait3A_424 : memref<128x16xf32, #tpu.memory_space<vmem>>)
    %dma_wait3A_431 = arith.constant 17 : i32
    %dma_wait3A_432 = arith.constant 2176 : i32
    %dma_wait3A_433 = arith.constant 0 : i32
    %dma_wait3A_434 = tpu.memref_slice %arg6[%dma_wait3A_432, %dma_wait3A_433] : memref<3328x16xf32, #tpu.memory_space<vmem>> -> memref<128x16xf32, #tpu.memory_space<vmem>>
    %dma_wait3A_435 = arith.constant 0 : i32
    %dma_wait3A_436 = tpu.memref_slice %arg5[%dma_wait3A_431, %dma_wait3A_435] : memref<26x128xi32, #tpu.memory_space<vmem>> -> memref<1x128xi32, #tpu.memory_space<vmem>>
    %dma_wait3A_437 = tpu.memref_squeeze %dma_wait3A_436 : memref<1x128xi32, #tpu.memory_space<vmem>> -> memref<128xi32, #tpu.memory_space<vmem>>
    %dma_wait3A_438 = arith.constant 0 : i32
    %dma_wait3A_439 = arith.constant 0 : i32
    %dma_wait3A_440 = tpu.memref_slice %arg2[%dma_wait3A_438, %dma_wait3A_439] : memref<1000000x16xf32, #tpu.memory_space<hbm>> -> memref<1000000x16xf32, #tpu.memory_space<hbm>>
    tpu.wait_indirect_dma semaphore(%arg7 : memref<!tpu.dma_semaphore, #tpu.memory_space<semaphore_mem>>) src(%dma_wait3A_440 : memref<1000000x16xf32, #tpu.memory_space<hbm>>) dst(%dma_wait3A_434 : memref<128x16xf32, #tpu.memory_space<vmem>>)
    %dma_wait3A_441 = arith.constant 18 : i32
    %dma_wait3A_442 = arith.constant 2304 : i32
    %dma_wait3A_443 = arith.constant 0 : i32
    %dma_wait3A_444 = tpu.memref_slice %arg6[%dma_wait3A_442, %dma_wait3A_443] : memref<3328x16xf32, #tpu.memory_space<vmem>> -> memref<128x16xf32, #tpu.memory_space<vmem>>
    %dma_wait3A_445 = arith.constant 0 : i32
    %dma_wait3A_446 = tpu.memref_slice %arg5[%dma_wait3A_441, %dma_wait3A_445] : memref<26x128xi32, #tpu.memory_space<vmem>> -> memref<1x128xi32, #tpu.memory_space<vmem>>
    %dma_wait3A_447 = tpu.memref_squeeze %dma_wait3A_446 : memref<1x128xi32, #tpu.memory_space<vmem>> -> memref<128xi32, #tpu.memory_space<vmem>>
    %dma_wait3A_448 = arith.constant 0 : i32
    %dma_wait3A_449 = arith.constant 0 : i32
    %dma_wait3A_450 = tpu.memref_slice %arg2[%dma_wait3A_448, %dma_wait3A_449] : memref<1000000x16xf32, #tpu.memory_space<hbm>> -> memref<1000000x16xf32, #tpu.memory_space<hbm>>
    tpu.wait_indirect_dma semaphore(%arg7 : memref<!tpu.dma_semaphore, #tpu.memory_space<semaphore_mem>>) src(%dma_wait3A_450 : memref<1000000x16xf32, #tpu.memory_space<hbm>>) dst(%dma_wait3A_444 : memref<128x16xf32, #tpu.memory_space<vmem>>)
    %dma_wait3A_451 = arith.constant 19 : i32
    %dma_wait3A_452 = arith.constant 2432 : i32
    %dma_wait3A_453 = arith.constant 0 : i32
    %dma_wait3A_454 = tpu.memref_slice %arg6[%dma_wait3A_452, %dma_wait3A_453] : memref<3328x16xf32, #tpu.memory_space<vmem>> -> memref<128x16xf32, #tpu.memory_space<vmem>>
    %dma_wait3A_455 = arith.constant 0 : i32
    %dma_wait3A_456 = tpu.memref_slice %arg5[%dma_wait3A_451, %dma_wait3A_455] : memref<26x128xi32, #tpu.memory_space<vmem>> -> memref<1x128xi32, #tpu.memory_space<vmem>>
    %dma_wait3A_457 = tpu.memref_squeeze %dma_wait3A_456 : memref<1x128xi32, #tpu.memory_space<vmem>> -> memref<128xi32, #tpu.memory_space<vmem>>
    %dma_wait3A_458 = arith.constant 0 : i32
    %dma_wait3A_459 = arith.constant 0 : i32
    %dma_wait3A_460 = tpu.memref_slice %arg2[%dma_wait3A_458, %dma_wait3A_459] : memref<1000000x16xf32, #tpu.memory_space<hbm>> -> memref<1000000x16xf32, #tpu.memory_space<hbm>>
    tpu.wait_indirect_dma semaphore(%arg7 : memref<!tpu.dma_semaphore, #tpu.memory_space<semaphore_mem>>) src(%dma_wait3A_460 : memref<1000000x16xf32, #tpu.memory_space<hbm>>) dst(%dma_wait3A_454 : memref<128x16xf32, #tpu.memory_space<vmem>>)
    %dma_wait3A_461 = arith.constant 20 : i32
    %dma_wait3A_462 = arith.constant 2560 : i32
    %dma_wait3A_463 = arith.constant 0 : i32
    %dma_wait3A_464 = tpu.memref_slice %arg6[%dma_wait3A_462, %dma_wait3A_463] : memref<3328x16xf32, #tpu.memory_space<vmem>> -> memref<128x16xf32, #tpu.memory_space<vmem>>
    %dma_wait3A_465 = arith.constant 0 : i32
    %dma_wait3A_466 = tpu.memref_slice %arg5[%dma_wait3A_461, %dma_wait3A_465] : memref<26x128xi32, #tpu.memory_space<vmem>> -> memref<1x128xi32, #tpu.memory_space<vmem>>
    %dma_wait3A_467 = tpu.memref_squeeze %dma_wait3A_466 : memref<1x128xi32, #tpu.memory_space<vmem>> -> memref<128xi32, #tpu.memory_space<vmem>>
    %dma_wait3A_468 = arith.constant 0 : i32
    %dma_wait3A_469 = arith.constant 0 : i32
    %dma_wait3A_470 = tpu.memref_slice %arg2[%dma_wait3A_468, %dma_wait3A_469] : memref<1000000x16xf32, #tpu.memory_space<hbm>> -> memref<1000000x16xf32, #tpu.memory_space<hbm>>
    tpu.wait_indirect_dma semaphore(%arg7 : memref<!tpu.dma_semaphore, #tpu.memory_space<semaphore_mem>>) src(%dma_wait3A_470 : memref<1000000x16xf32, #tpu.memory_space<hbm>>) dst(%dma_wait3A_464 : memref<128x16xf32, #tpu.memory_space<vmem>>)
    %dma_wait3A_471 = arith.constant 21 : i32
    %dma_wait3A_472 = arith.constant 2688 : i32
    %dma_wait3A_473 = arith.constant 0 : i32
    %dma_wait3A_474 = tpu.memref_slice %arg6[%dma_wait3A_472, %dma_wait3A_473] : memref<3328x16xf32, #tpu.memory_space<vmem>> -> memref<128x16xf32, #tpu.memory_space<vmem>>
    %dma_wait3A_475 = arith.constant 0 : i32
    %dma_wait3A_476 = tpu.memref_slice %arg5[%dma_wait3A_471, %dma_wait3A_475] : memref<26x128xi32, #tpu.memory_space<vmem>> -> memref<1x128xi32, #tpu.memory_space<vmem>>
    %dma_wait3A_477 = tpu.memref_squeeze %dma_wait3A_476 : memref<1x128xi32, #tpu.memory_space<vmem>> -> memref<128xi32, #tpu.memory_space<vmem>>
    %dma_wait3A_478 = arith.constant 0 : i32
    %dma_wait3A_479 = arith.constant 0 : i32
    %dma_wait3A_480 = tpu.memref_slice %arg2[%dma_wait3A_478, %dma_wait3A_479] : memref<1000000x16xf32, #tpu.memory_space<hbm>> -> memref<1000000x16xf32, #tpu.memory_space<hbm>>
    tpu.wait_indirect_dma semaphore(%arg7 : memref<!tpu.dma_semaphore, #tpu.memory_space<semaphore_mem>>) src(%dma_wait3A_480 : memref<1000000x16xf32, #tpu.memory_space<hbm>>) dst(%dma_wait3A_474 : memref<128x16xf32, #tpu.memory_space<vmem>>)
    %dma_wait3A_481 = arith.constant 22 : i32
    %dma_wait3A_482 = arith.constant 2816 : i32
    %dma_wait3A_483 = arith.constant 0 : i32
    %dma_wait3A_484 = tpu.memref_slice %arg6[%dma_wait3A_482, %dma_wait3A_483] : memref<3328x16xf32, #tpu.memory_space<vmem>> -> memref<128x16xf32, #tpu.memory_space<vmem>>
    %dma_wait3A_485 = arith.constant 0 : i32
    %dma_wait3A_486 = tpu.memref_slice %arg5[%dma_wait3A_481, %dma_wait3A_485] : memref<26x128xi32, #tpu.memory_space<vmem>> -> memref<1x128xi32, #tpu.memory_space<vmem>>
    %dma_wait3A_487 = tpu.memref_squeeze %dma_wait3A_486 : memref<1x128xi32, #tpu.memory_space<vmem>> -> memref<128xi32, #tpu.memory_space<vmem>>
    %dma_wait3A_488 = arith.constant 0 : i32
    %dma_wait3A_489 = arith.constant 0 : i32
    %dma_wait3A_490 = tpu.memref_slice %arg2[%dma_wait3A_488, %dma_wait3A_489] : memref<1000000x16xf32, #tpu.memory_space<hbm>> -> memref<1000000x16xf32, #tpu.memory_space<hbm>>
    tpu.wait_indirect_dma semaphore(%arg7 : memref<!tpu.dma_semaphore, #tpu.memory_space<semaphore_mem>>) src(%dma_wait3A_490 : memref<1000000x16xf32, #tpu.memory_space<hbm>>) dst(%dma_wait3A_484 : memref<128x16xf32, #tpu.memory_space<vmem>>)
    %dma_wait3A_491 = arith.constant 23 : i32
    %dma_wait3A_492 = arith.constant 2944 : i32
    %dma_wait3A_493 = arith.constant 0 : i32
    %dma_wait3A_494 = tpu.memref_slice %arg6[%dma_wait3A_492, %dma_wait3A_493] : memref<3328x16xf32, #tpu.memory_space<vmem>> -> memref<128x16xf32, #tpu.memory_space<vmem>>
    %dma_wait3A_495 = arith.constant 0 : i32
    %dma_wait3A_496 = tpu.memref_slice %arg5[%dma_wait3A_491, %dma_wait3A_495] : memref<26x128xi32, #tpu.memory_space<vmem>> -> memref<1x128xi32, #tpu.memory_space<vmem>>
    %dma_wait3A_497 = tpu.memref_squeeze %dma_wait3A_496 : memref<1x128xi32, #tpu.memory_space<vmem>> -> memref<128xi32, #tpu.memory_space<vmem>>
    %dma_wait3A_498 = arith.constant 0 : i32
    %dma_wait3A_499 = arith.constant 0 : i32
    %dma_wait3A_500 = tpu.memref_slice %arg2[%dma_wait3A_498, %dma_wait3A_499] : memref<1000000x16xf32, #tpu.memory_space<hbm>> -> memref<1000000x16xf32, #tpu.memory_space<hbm>>
    tpu.wait_indirect_dma semaphore(%arg7 : memref<!tpu.dma_semaphore, #tpu.memory_space<semaphore_mem>>) src(%dma_wait3A_500 : memref<1000000x16xf32, #tpu.memory_space<hbm>>) dst(%dma_wait3A_494 : memref<128x16xf32, #tpu.memory_space<vmem>>)
    %dma_wait3A_501 = arith.constant 24 : i32
    %dma_wait3A_502 = arith.constant 3072 : i32
    %dma_wait3A_503 = arith.constant 0 : i32
    %dma_wait3A_504 = tpu.memref_slice %arg6[%dma_wait3A_502, %dma_wait3A_503] : memref<3328x16xf32, #tpu.memory_space<vmem>> -> memref<128x16xf32, #tpu.memory_space<vmem>>
    %dma_wait3A_505 = arith.constant 0 : i32
    %dma_wait3A_506 = tpu.memref_slice %arg5[%dma_wait3A_501, %dma_wait3A_505] : memref<26x128xi32, #tpu.memory_space<vmem>> -> memref<1x128xi32, #tpu.memory_space<vmem>>
    %dma_wait3A_507 = tpu.memref_squeeze %dma_wait3A_506 : memref<1x128xi32, #tpu.memory_space<vmem>> -> memref<128xi32, #tpu.memory_space<vmem>>
    %dma_wait3A_508 = arith.constant 0 : i32
    %dma_wait3A_509 = arith.constant 0 : i32
    %dma_wait3A_510 = tpu.memref_slice %arg2[%dma_wait3A_508, %dma_wait3A_509] : memref<1000000x16xf32, #tpu.memory_space<hbm>> -> memref<1000000x16xf32, #tpu.memory_space<hbm>>
    tpu.wait_indirect_dma semaphore(%arg7 : memref<!tpu.dma_semaphore, #tpu.memory_space<semaphore_mem>>) src(%dma_wait3A_510 : memref<1000000x16xf32, #tpu.memory_space<hbm>>) dst(%dma_wait3A_504 : memref<128x16xf32, #tpu.memory_space<vmem>>)
    %dma_wait3A_511 = arith.constant 25 : i32
    %dma_wait3A_512 = arith.constant 3200 : i32
    %dma_wait3A_513 = arith.constant 0 : i32
    %dma_wait3A_514 = tpu.memref_slice %arg6[%dma_wait3A_512, %dma_wait3A_513] : memref<3328x16xf32, #tpu.memory_space<vmem>> -> memref<128x16xf32, #tpu.memory_space<vmem>>
    %dma_wait3A_515 = arith.constant 0 : i32
    %dma_wait3A_516 = tpu.memref_slice %arg5[%dma_wait3A_511, %dma_wait3A_515] : memref<26x128xi32, #tpu.memory_space<vmem>> -> memref<1x128xi32, #tpu.memory_space<vmem>>
    %dma_wait3A_517 = tpu.memref_squeeze %dma_wait3A_516 : memref<1x128xi32, #tpu.memory_space<vmem>> -> memref<128xi32, #tpu.memory_space<vmem>>
    %dma_wait3A_518 = arith.constant 0 : i32
    %dma_wait3A_519 = arith.constant 0 : i32
    %dma_wait3A_520 = tpu.memref_slice %arg2[%dma_wait3A_518, %dma_wait3A_519] : memref<1000000x16xf32, #tpu.memory_space<hbm>> -> memref<1000000x16xf32, #tpu.memory_space<hbm>>
    tpu.wait_indirect_dma semaphore(%arg7 : memref<!tpu.dma_semaphore, #tpu.memory_space<semaphore_mem>>) src(%dma_wait3A_520 : memref<1000000x16xf32, #tpu.memory_space<hbm>>) dst(%dma_wait3A_514 : memref<128x16xf32, #tpu.memory_space<vmem>>)
    "tpu.region"() ({
      %run_scoped3A = tpu.sem_alloc : memref<!tpu.dma_semaphore, #tpu.memory_space<semaphore_mem>>
      %dma_start3A_521 = arith.constant 0 : i32
      %dma_start3A_522 = tpu.memref_slice %arg4[%mul3A_2, %dma_start3A_521] : memref<106496x16xf32, #tpu.memory_space<hbm>> -> memref<3328x16xf32, #tpu.memory_space<hbm>>
      %dma_start3A_523 = arith.constant 0 : i32
      %dma_start3A_524 = tpu.memref_slice %arg4[%mul3A_2, %dma_start3A_523] : memref<106496x16xf32, #tpu.memory_space<hbm>> -> memref<3328x16xf32, #tpu.memory_space<hbm>>
      tpu.enqueue_dma source(%arg6 : memref<3328x16xf32, #tpu.memory_space<vmem>>) target(%dma_start3A_524 : memref<3328x16xf32, #tpu.memory_space<hbm>>) target_semaphore(%run_scoped3A : memref<!tpu.dma_semaphore, #tpu.memory_space<semaphore_mem>>)
      %dma_wait3A_525 = arith.constant 0 : i32
      %dma_wait3A_526 = tpu.memref_slice %arg4[%mul3A_2, %dma_wait3A_525] : memref<106496x16xf32, #tpu.memory_space<hbm>> -> memref<3328x16xf32, #tpu.memory_space<hbm>>
      %dma_wait3A_527 = arith.constant 0 : i32
      %dma_wait3A_528 = tpu.memref_slice %arg4[%mul3A_2, %dma_wait3A_527] : memref<106496x16xf32, #tpu.memory_space<hbm>> -> memref<3328x16xf32, #tpu.memory_space<hbm>>
      tpu.wait_dma2 semaphore(%run_scoped3A : memref<!tpu.dma_semaphore, #tpu.memory_space<semaphore_mem>>) src(%arg6 : memref<3328x16xf32, #tpu.memory_space<vmem>>) dst(%dma_wait3A_528 : memref<3328x16xf32, #tpu.memory_space<hbm>>)
      tpu.yield
    }) : () -> ()
    return
  }
}

module attributes {stable_mosaic.version = 14 : i64} {
  func.func @_tr_body(%arg0: i32, %arg1: memref<16x8192xf32, #tpu.memory_space<vmem>>, %arg2: memref<16x128xf32, #tpu.memory_space<vmem>>, %arg3: memref<8192x128xf32, #tpu.memory_space<vmem>>, %arg4: memref<1024x128xf32, #tpu.memory_space<vmem>>) attributes {dimension_semantics = [#tpu.dimension_semantics<arbitrary>], iteration_bounds = array<i64: 123>, scalar_prefetch = 0 : i64, scratch_operands = 0 : i64, tpu.core_type = #tpu.core_type<tc>, window_params = [{transform_indices = @transform_0, window_bounds = array<i64: 16, 8192>}, {pipeline_mode = #tpu.pipeline_mode<synchronous>, transform_indices = @transform_1, window_bounds = array<i64: 16, 128>}, {pipeline_mode = #tpu.pipeline_mode<synchronous>, transform_indices = @transform_2, window_bounds = array<i64: 8192, 128>}, {transform_indices = @transform_3, window_bounds = array<i64: 1024, 128>}]} {
    %get3A = arith.constant 0 : index
    %get3A_0 = arith.constant 0 : index
    %get3A_1 = vector.load %arg1[%get3A, %get3A_0] : memref<16x8192xf32, #tpu.memory_space<vmem>>, vector<16x8192xf32>
    %transpose3A = tpu.transpose %get3A_1, [1, 0] : vector<16x8192xf32> -> vector<8192x16xf32>
    %get3A_2 = arith.constant 0 : index
    %get3A_3 = arith.constant 0 : index
    %get3A_4 = vector.load %arg2[%get3A_2, %get3A_3] : memref<16x128xf32, #tpu.memory_space<vmem>>, vector<16x128xf32>
    %dot_general3A = arith.constant dense<0.000000e+00> : vector<8192x128xf32>
    %dot_general3A_5 = tpu.matmul %transpose3A, %get3A_4, %dot_general3A {dimension_numbers = #tpu.dot_dimension_numbers<[1], [0], [0], [1], [0, 0, 1, 1], [], []>, transpose_lhs_hint = false} : vector<8192x16xf32>, vector<16x128xf32>, vector<8192x128xf32> -> vector<8192x128xf32>
    %get3A_6 = arith.constant 0 : index
    %get3A_7 = arith.constant 0 : index
    %get3A_8 = vector.load %arg3[%get3A_6, %get3A_7] : memref<8192x128xf32, #tpu.memory_space<vmem>>, vector<8192x128xf32>
    %mul3A = arith.mulf %dot_general3A_5, %get3A_8 : vector<8192x128xf32>
    %reshape3A = vector.shape_cast %mul3A : vector<8192x128xf32> to vector<1024x8x128xf32>
    %reduce_sum3A = arith.constant dense<0.000000e+00> : vector<1024x128xf32>
    %reduce_sum3A_9 = vector.multi_reduction <add>, %reshape3A, %reduce_sum3A [1] : vector<1024x8x128xf32> to vector<1024x128xf32>
    %swap3A = arith.constant 0 : index
    %swap3A_10 = arith.constant 0 : index
    %swap3A_11 = vector.load %arg4[%swap3A, %swap3A_10] : memref<1024x128xf32, #tpu.memory_space<vmem>>, vector<1024x128xf32>
    tpu.vector_store %arg4[%swap3A, %swap3A_10], %reduce_sum3A_9 {strides = array<i32>} : memref<1024x128xf32, #tpu.memory_space<vmem>>, vector<1024x128xf32>,
    return
  }
  func.func @transform_0(%arg0: i32) -> (i32, i32) {
    %c0_i32 = arith.constant 0 : i32
    %c0_i32_0 = arith.constant 0 : i32
    return %c0_i32, %arg0 : i32, i32
  }
  func.func @transform_1(%arg0: i32) -> (i32, i32) {
    %c0_i32 = arith.constant 0 : i32
    %c0_i32_0 = arith.constant 0 : i32
    %c0_i32_1 = arith.constant 0 : i32
    return %c0_i32, %c0_i32_0 : i32, i32
  }
  func.func @transform_2(%arg0: i32) -> (i32, i32) {
    %c0_i32 = arith.constant 0 : i32
    %c0_i32_0 = arith.constant 0 : i32
    %c0_i32_1 = arith.constant 0 : i32
    return %c0_i32, %c0_i32_0 : i32, i32
  }
  func.func @transform_3(%arg0: i32) -> (i32, i32) {
    %c0_i32 = arith.constant 0 : i32
    %c0_i32_0 = arith.constant 0 : i32
    return %arg0, %c0_i32 : i32, i32
  }
}

module attributes {stable_mosaic.version = 14 : i64} {
  func.func @_tc_body(%arg0: i32, %arg1: memref<512x416xf32, #tpu.memory_space<vmem>>, %arg2: memref<512x4xf32, #tpu.memory_space<vmem>>, %arg3: memref<4x16xf32, #tpu.memory_space<vmem>>, %arg4: memref<4x416xf32, #tpu.memory_space<vmem>>, %arg5: memref<4x416xf32, #tpu.memory_space<vmem>>, %arg6: memref<3x416xf32, #tpu.memory_space<vmem>>, %arg7: memref<3x16xf32, #tpu.memory_space<vmem>>, %arg8: memref<3x416xf32, #tpu.memory_space<vmem>>, %arg9: memref<3x16xf32, #tpu.memory_space<vmem>>, %arg10: memref<416x512xf32, #tpu.memory_space<vmem>>, %arg11: memref<16x512xf32, #tpu.memory_space<vmem>>, %arg12: memref<1x512xf32, #tpu.memory_space<vmem>>, %arg13: memref<512x256xf32, #tpu.memory_space<vmem>>, %arg14: memref<1x256xf32, #tpu.memory_space<vmem>>, %arg15: memref<256x128xf32, #tpu.memory_space<vmem>>, %arg16: memref<1x128xf32, #tpu.memory_space<vmem>>, %arg17: memref<4x416x512xf32, #tpu.memory_space<vmem>>, %arg18: memref<4x16x512xf32, #tpu.memory_space<vmem>>, %arg19: memref<4x512xf32, #tpu.memory_space<vmem>>, %arg20: memref<4x512x256xf32, #tpu.memory_space<vmem>>, %arg21: memref<4x256xf32, #tpu.memory_space<vmem>>, %arg22: memref<4x256x128xf32, #tpu.memory_space<vmem>>, %arg23: memref<4x128xf32, #tpu.memory_space<vmem>>, %arg24: memref<128x64xf32, #tpu.memory_space<vmem>>, %arg25: memref<1x64xf32, #tpu.memory_space<vmem>>, %arg26: memref<64x1xf32, #tpu.memory_space<vmem>>, %arg27: memref<1x1xf32, #tpu.memory_space<vmem>>, %arg28: memref<16x32xf32, #tpu.memory_space<vmem>>, %arg29: memref<1x32xf32, #tpu.memory_space<vmem>>, %arg30: memref<32x1xf32, #tpu.memory_space<vmem>>, %arg31: memref<1x1xf32, #tpu.memory_space<vmem>>, %arg32: memref<512x1xf32, #tpu.memory_space<vmem>>) attributes {dimension_semantics = [#tpu.dimension_semantics<arbitrary>], iteration_bounds = array<i64: 8>, scalar_prefetch = 0 : i64, scratch_operands = 0 : i64, tpu.core_type = #tpu.core_type<tc>, window_params = [{transform_indices = @transform_0, window_bounds = array<i64: 512, 416>}, {transform_indices = @transform_1, window_bounds = array<i64: 512, 4>}, {pipeline_mode = #tpu.pipeline_mode<synchronous>, transform_indices = @transform_2, window_bounds = array<i64: 4, 16>}, {pipeline_mode = #tpu.pipeline_mode<synchronous>, transform_indices = @transform_3, window_bounds = array<i64: 4, 416>}, {pipeline_mode = #tpu.pipeline_mode<synchronous>, transform_indices = @transform_4, window_bounds = array<i64: 4, 416>}, {pipeline_mode = #tpu.pipeline_mode<synchronous>, transform_indices = @transform_5, window_bounds = array<i64: 3, 416>}, {pipeline_mode = #tpu.pipeline_mode<synchronous>, transform_indices = @transform_6, window_bounds = array<i64: 3, 16>}, {pipeline_mode = #tpu.pipeline_mode<synchronous>, transform_indices = @transform_7, window_bounds = array<i64: 3, 416>}, {pipeline_mode = #tpu.pipeline_mode<synchronous>, transform_indices = @transform_8, window_bounds = array<i64: 3, 16>}, {pipeline_mode = #tpu.pipeline_mode<synchronous>, transform_indices = @transform_9, window_bounds = array<i64: 416, 512>}, {pipeline_mode = #tpu.pipeline_mode<synchronous>, transform_indices = @transform_10, window_bounds = array<i64: 16, 512>}, {pipeline_mode = #tpu.pipeline_mode<synchronous>, transform_indices = @transform_11, window_bounds = array<i64: 1, 512>}, {pipeline_mode = #tpu.pipeline_mode<synchronous>, transform_indices = @transform_12, window_bounds = array<i64: 512, 256>}, {pipeline_mode = #tpu.pipeline_mode<synchronous>, transform_indices = @transform_13, window_bounds = array<i64: 1, 256>}, {pipeline_mode = #tpu.pipeline_mode<synchronous>, transform_indices = @transform_14, window_bounds = array<i64: 256, 128>}, {pipeline_mode = #tpu.pipeline_mode<synchronous>, transform_indices = @transform_15, window_bounds = array<i64: 1, 128>}, {pipeline_mode = #tpu.pipeline_mode<synchronous>, transform_indices = @transform_16, window_bounds = array<i64: 4, 416, 512>}, {pipeline_mode = #tpu.pipeline_mode<synchronous>, transform_indices = @transform_17, window_bounds = array<i64: 4, 16, 512>}, {pipeline_mode = #tpu.pipeline_mode<synchronous>, transform_indices = @transform_18, window_bounds = array<i64: 4, 512>}, {pipeline_mode = #tpu.pipeline_mode<synchronous>, transform_indices = @transform_19, window_bounds = array<i64: 4, 512, 256>}, {pipeline_mode = #tpu.pipeline_mode<synchronous>, transform_indices = @transform_20, window_bounds = array<i64: 4, 256>}, {pipeline_mode = #tpu.pipeline_mode<synchronous>, transform_indices = @transform_21, window_bounds = array<i64: 4, 256, 128>}, {pipeline_mode = #tpu.pipeline_mode<synchronous>, transform_indices = @transform_22, window_bounds = array<i64: 4, 128>}, {pipeline_mode = #tpu.pipeline_mode<synchronous>, transform_indices = @transform_23, window_bounds = array<i64: 128, 64>}, {pipeline_mode = #tpu.pipeline_mode<synchronous>, transform_indices = @transform_24, window_bounds = array<i64: 1, 64>}, {pipeline_mode = #tpu.pipeline_mode<synchronous>, transform_indices = @transform_25, window_bounds = array<i64: 64, 1>}, {pipeline_mode = #tpu.pipeline_mode<synchronous>, transform_indices = @transform_26, window_bounds = array<i64: 1, 1>}, {pipeline_mode = #tpu.pipeline_mode<synchronous>, transform_indices = @transform_27, window_bounds = array<i64: 16, 32>}, {pipeline_mode = #tpu.pipeline_mode<synchronous>, transform_indices = @transform_28, window_bounds = array<i64: 1, 32>}, {pipeline_mode = #tpu.pipeline_mode<synchronous>, transform_indices = @transform_29, window_bounds = array<i64: 32, 1>}, {pipeline_mode = #tpu.pipeline_mode<synchronous>, transform_indices = @transform_30, window_bounds = array<i64: 1, 1>}, {transform_indices = @transform_31, window_bounds = array<i64: 512, 1>}]} {
    %get3A = arith.constant 0 : index
    %get3A_0 = arith.constant 0 : index
    %get3A_1 = vector.load %arg1[%get3A, %get3A_0] : memref<512x416xf32, #tpu.memory_space<vmem>>, vector<512x416xf32>
    %get3A_2 = arith.constant 0 : index
    %get3A_3 = arith.constant 0 : index
    %get3A_4 = vector.load %arg2[%get3A_2, %get3A_3] : memref<512x4xf32, #tpu.memory_space<vmem>>, vector<512x4xf32>
    %reduce_sum3A = arith.constant dense<0.000000e+00> : vector<512xf32>
    %reduce_sum3A_5 = vector.multi_reduction <add>, %get3A_1, %reduce_sum3A [1] : vector<512x416xf32> to vector<512xf32>
    %broadcast_in_dim3A = vector.shape_cast %reduce_sum3A_5 : vector<512xf32> to vector<512x1xf32>
    %div3A = arith.constant 4.160000e+02 : f32
    %div3A_6 = vector.broadcast %div3A : f32 to vector<512x1xf32>
    %div3A_7 = arith.divf %broadcast_in_dim3A, %div3A_6 : vector<512x1xf32>
    %sub3A = vector.broadcast %div3A_7 : vector<512x1xf32> to vector<512x416xf32>
    %sub3A_8 = arith.subf %get3A_1, %sub3A : vector<512x416xf32>
    %mul3A = arith.mulf %sub3A_8, %sub3A_8 : vector<512x416xf32>
    %reduce_sum3A_9 = arith.constant dense<0.000000e+00> : vector<512xf32>
    %reduce_sum3A_10 = vector.multi_reduction <add>, %mul3A, %reduce_sum3A_9 [1] : vector<512x416xf32> to vector<512xf32>
    %broadcast_in_dim3A_11 = vector.shape_cast %reduce_sum3A_10 : vector<512xf32> to vector<512x1xf32>
    %div3A_12 = arith.constant 4.160000e+02 : f32
    %div3A_13 = vector.broadcast %div3A_12 : f32 to vector<512x1xf32>
    %div3A_14 = arith.divf %broadcast_in_dim3A_11, %div3A_13 : vector<512x1xf32>
    %add3A = arith.constant 9.99999974E-6 : f32
    %add3A_15 = vector.broadcast %add3A : f32 to vector<512x1xf32>
    %add3A_16 = arith.addf %div3A_14, %add3A_15 : vector<512x1xf32>
    %rsqrt3A = math.rsqrt %add3A_16 : vector<512x1xf32>
    %mul3A_17 = vector.broadcast %rsqrt3A : vector<512x1xf32> to vector<512x416xf32>
    %mul3A_18 = arith.mulf %sub3A_8, %mul3A_17 : vector<512x416xf32>
    %get3A_19 = arith.constant 0 : index
    %get3A_20 = arith.constant 0 : index
    %get3A_21 = vector.load %arg4[%get3A_19, %get3A_20] : memref<4x416xf32, #tpu.memory_space<vmem>>, vector<4x416xf32>
    %dot_general3A = arith.constant dense<0.000000e+00> : vector<512x416xf32>
    %dot_general3A_22 = tpu.matmul %get3A_4, %get3A_21, %dot_general3A {dimension_numbers = #tpu.dot_dimension_numbers<[1], [0], [0], [1], [0, 0, 1, 1], [], []>, transpose_lhs_hint = false} : vector<512x4xf32>, vector<4x416xf32>, vector<512x416xf32> -> vector<512x416xf32>
    %get3A_23 = arith.constant 0 : index
    %get3A_24 = arith.constant 0 : index
    %get3A_25 = vector.load %arg5[%get3A_23, %get3A_24] : memref<4x416xf32, #tpu.memory_space<vmem>>, vector<4x416xf32>
    %dot_general3A_26 = arith.constant dense<0.000000e+00> : vector<512x416xf32>
    %dot_general3A_27 = tpu.matmul %get3A_4, %get3A_25, %dot_general3A_26 {dimension_numbers = #tpu.dot_dimension_numbers<[1], [0], [0], [1], [0, 0, 1, 1], [], []>, transpose_lhs_hint = false} : vector<512x4xf32>, vector<4x416xf32>, vector<512x416xf32> -> vector<512x416xf32>
    %mul3A_28 = arith.mulf %mul3A_18, %dot_general3A_22 : vector<512x416xf32>
    %add3A_29 = arith.addf %mul3A_28, %dot_general3A_27 : vector<512x416xf32>
    %get3A_30 = arith.constant 0 : index
    %get3A_31 = arith.constant 0 : index
    %get3A_32 = vector.load %arg3[%get3A_30, %get3A_31] : memref<4x16xf32, #tpu.memory_space<vmem>>, vector<4x16xf32>
    %dot_general3A_33 = arith.constant dense<0.000000e+00> : vector<512x16xf32>
    %dot_general3A_34 = tpu.matmul %get3A_4, %get3A_32, %dot_general3A_33 {dimension_numbers = #tpu.dot_dimension_numbers<[1], [0], [0], [1], [0, 0, 1, 1], [], []>, transpose_lhs_hint = false} : vector<512x4xf32>, vector<4x16xf32>, vector<512x16xf32> -> vector<512x16xf32>
    %get3A_35 = arith.constant 0 : index
    %get3A_36 = arith.constant 0 : index
    %get3A_37 = vector.load %arg6[%get3A_35, %get3A_36] : memref<3x416xf32, #tpu.memory_space<vmem>>, vector<1x416xf32>
    %get3A_38 = vector.shape_cast %get3A_37 : vector<1x416xf32> to vector<416xf32>
    %broadcast_in_dim3A_39 = vector.shape_cast %get3A_38 : vector<416xf32> to vector<1x416xf32>
    %mul3A_40 = vector.broadcast %broadcast_in_dim3A_39 : vector<1x416xf32> to vector<512x416xf32>
    %mul3A_41 = arith.mulf %add3A_29, %mul3A_40 : vector<512x416xf32>
    %reduce_sum3A_42 = arith.constant dense<0.000000e+00> : vector<512xf32>
    %reduce_sum3A_43 = vector.multi_reduction <add>, %mul3A_41, %reduce_sum3A_42 [1] : vector<512x416xf32> to vector<512xf32>
    %broadcast_in_dim3A_44 = vector.shape_cast %reduce_sum3A_43 : vector<512xf32> to vector<512x1xf32>
    %get3A_45 = arith.constant 0 : index
    %get3A_46 = arith.constant 0 : index
    %get3A_47 = vector.load %arg7[%get3A_45, %get3A_46] : memref<3x16xf32, #tpu.memory_space<vmem>>, vector<1x16xf32>
    %get3A_48 = vector.shape_cast %get3A_47 : vector<1x16xf32> to vector<16xf32>
    %broadcast_in_dim3A_49 = vector.shape_cast %get3A_48 : vector<16xf32> to vector<1x16xf32>
    %mul3A_50 = vector.broadcast %broadcast_in_dim3A_49 : vector<1x16xf32> to vector<512x16xf32>
    %mul3A_51 = arith.mulf %dot_general3A_34, %mul3A_50 : vector<512x16xf32>
    %reduce_sum3A_52 = arith.constant dense<0.000000e+00> : vector<512xf32>
    %reduce_sum3A_53 = vector.multi_reduction <add>, %mul3A_51, %reduce_sum3A_52 [1] : vector<512x16xf32> to vector<512xf32>
    %broadcast_in_dim3A_54 = vector.shape_cast %reduce_sum3A_53 : vector<512xf32> to vector<512x1xf32>
    %add3A_55 = arith.addf %broadcast_in_dim3A_44, %broadcast_in_dim3A_54 : vector<512x1xf32>
    %mul3A_56 = vector.broadcast %add3A_55 : vector<512x1xf32> to vector<512x416xf32>
    %mul3A_57 = arith.mulf %add3A_29, %mul3A_56 : vector<512x416xf32>
    %get3A_58 = arith.constant 0 : index
    %get3A_59 = arith.constant 0 : index
    %get3A_60 = vector.load %arg8[%get3A_58, %get3A_59] : memref<3x416xf32, #tpu.memory_space<vmem>>, vector<1x416xf32>
    %get3A_61 = vector.shape_cast %get3A_60 : vector<1x416xf32> to vector<416xf32>
    %broadcast_in_dim3A_62 = vector.shape_cast %get3A_61 : vector<416xf32> to vector<1x416xf32>
    %add3A_63 = vector.broadcast %broadcast_in_dim3A_62 : vector<1x416xf32> to vector<512x416xf32>
    %add3A_64 = arith.addf %mul3A_57, %add3A_63 : vector<512x416xf32>
    %add3A_65 = arith.addf %add3A_64, %add3A_29 : vector<512x416xf32>
    %mul3A_66 = vector.broadcast %add3A_55 : vector<512x1xf32> to vector<512x16xf32>
    %mul3A_67 = arith.mulf %dot_general3A_34, %mul3A_66 : vector<512x16xf32>
    %get3A_68 = arith.constant 0 : index
    %get3A_69 = arith.constant 0 : index
    %get3A_70 = vector.load %arg9[%get3A_68, %get3A_69] : memref<3x16xf32, #tpu.memory_space<vmem>>, vector<1x16xf32>
    %get3A_71 = vector.shape_cast %get3A_70 : vector<1x16xf32> to vector<16xf32>
    %broadcast_in_dim3A_72 = vector.shape_cast %get3A_71 : vector<16xf32> to vector<1x16xf32>
    %add3A_73 = vector.broadcast %broadcast_in_dim3A_72 : vector<1x16xf32> to vector<512x16xf32>
    %add3A_74 = arith.addf %mul3A_67, %add3A_73 : vector<512x16xf32>
    %add3A_75 = arith.addf %add3A_74, %dot_general3A_34 : vector<512x16xf32>
    %get3A_76 = arith.constant 1 : index
    %get3A_77 = arith.constant 0 : index
    %get3A_78 = vector.load %arg6[%get3A_76, %get3A_77] : memref<3x416xf32, #tpu.memory_space<vmem>>, vector<1x416xf32>
    %get3A_79 = vector.shape_cast %get3A_78 : vector<1x416xf32> to vector<416xf32>
    %broadcast_in_dim3A_80 = vector.shape_cast %get3A_79 : vector<416xf32> to vector<1x416xf32>
    %mul3A_81 = vector.broadcast %broadcast_in_dim3A_80 : vector<1x416xf32> to vector<512x416xf32>
    %mul3A_82 = arith.mulf %add3A_65, %mul3A_81 : vector<512x416xf32>
    %reduce_sum3A_83 = arith.constant dense<0.000000e+00> : vector<512xf32>
    %reduce_sum3A_84 = vector.multi_reduction <add>, %mul3A_82, %reduce_sum3A_83 [1] : vector<512x416xf32> to vector<512xf32>
    %broadcast_in_dim3A_85 = vector.shape_cast %reduce_sum3A_84 : vector<512xf32> to vector<512x1xf32>
    %get3A_86 = arith.constant 1 : index
    %get3A_87 = arith.constant 0 : index
    %get3A_88 = vector.load %arg7[%get3A_86, %get3A_87] : memref<3x16xf32, #tpu.memory_space<vmem>>, vector<1x16xf32>
    %get3A_89 = vector.shape_cast %get3A_88 : vector<1x16xf32> to vector<16xf32>
    %broadcast_in_dim3A_90 = vector.shape_cast %get3A_89 : vector<16xf32> to vector<1x16xf32>
    %mul3A_91 = vector.broadcast %broadcast_in_dim3A_90 : vector<1x16xf32> to vector<512x16xf32>
    %mul3A_92 = arith.mulf %add3A_75, %mul3A_91 : vector<512x16xf32>
    %reduce_sum3A_93 = arith.constant dense<0.000000e+00> : vector<512xf32>
    %reduce_sum3A_94 = vector.multi_reduction <add>, %mul3A_92, %reduce_sum3A_93 [1] : vector<512x16xf32> to vector<512xf32>
    %broadcast_in_dim3A_95 = vector.shape_cast %reduce_sum3A_94 : vector<512xf32> to vector<512x1xf32>
    %add3A_96 = arith.addf %broadcast_in_dim3A_85, %broadcast_in_dim3A_95 : vector<512x1xf32>
    %mul3A_97 = vector.broadcast %add3A_96 : vector<512x1xf32> to vector<512x416xf32>
    %mul3A_98 = arith.mulf %add3A_29, %mul3A_97 : vector<512x416xf32>
    %get3A_99 = arith.constant 1 : index
    %get3A_100 = arith.constant 0 : index
    %get3A_101 = vector.load %arg8[%get3A_99, %get3A_100] : memref<3x416xf32, #tpu.memory_space<vmem>>, vector<1x416xf32>
    %get3A_102 = vector.shape_cast %get3A_101 : vector<1x416xf32> to vector<416xf32>
    %broadcast_in_dim3A_103 = vector.shape_cast %get3A_102 : vector<416xf32> to vector<1x416xf32>
    %add3A_104 = vector.broadcast %broadcast_in_dim3A_103 : vector<1x416xf32> to vector<512x416xf32>
    %add3A_105 = arith.addf %mul3A_98, %add3A_104 : vector<512x416xf32>
    %add3A_106 = arith.addf %add3A_105, %add3A_65 : vector<512x416xf32>
    %mul3A_107 = vector.broadcast %add3A_96 : vector<512x1xf32> to vector<512x16xf32>
    %mul3A_108 = arith.mulf %dot_general3A_34, %mul3A_107 : vector<512x16xf32>
    %get3A_109 = arith.constant 1 : index
    %get3A_110 = arith.constant 0 : index
    %get3A_111 = vector.load %arg9[%get3A_109, %get3A_110] : memref<3x16xf32, #tpu.memory_space<vmem>>, vector<1x16xf32>
    %get3A_112 = vector.shape_cast %get3A_111 : vector<1x16xf32> to vector<16xf32>
    %broadcast_in_dim3A_113 = vector.shape_cast %get3A_112 : vector<16xf32> to vector<1x16xf32>
    %add3A_114 = vector.broadcast %broadcast_in_dim3A_113 : vector<1x16xf32> to vector<512x16xf32>
    %add3A_115 = arith.addf %mul3A_108, %add3A_114 : vector<512x16xf32>
    %add3A_116 = arith.addf %add3A_115, %add3A_75 : vector<512x16xf32>
    %get3A_117 = arith.constant 2 : index
    %get3A_118 = arith.constant 0 : index
    %get3A_119 = vector.load %arg6[%get3A_117, %get3A_118] : memref<3x416xf32, #tpu.memory_space<vmem>>, vector<1x416xf32>
    %get3A_120 = vector.shape_cast %get3A_119 : vector<1x416xf32> to vector<416xf32>
    %broadcast_in_dim3A_121 = vector.shape_cast %get3A_120 : vector<416xf32> to vector<1x416xf32>
    %mul3A_122 = vector.broadcast %broadcast_in_dim3A_121 : vector<1x416xf32> to vector<512x416xf32>
    %mul3A_123 = arith.mulf %add3A_106, %mul3A_122 : vector<512x416xf32>
    %reduce_sum3A_124 = arith.constant dense<0.000000e+00> : vector<512xf32>
    %reduce_sum3A_125 = vector.multi_reduction <add>, %mul3A_123, %reduce_sum3A_124 [1] : vector<512x416xf32> to vector<512xf32>
    %broadcast_in_dim3A_126 = vector.shape_cast %reduce_sum3A_125 : vector<512xf32> to vector<512x1xf32>
    %get3A_127 = arith.constant 2 : index
    %get3A_128 = arith.constant 0 : index
    %get3A_129 = vector.load %arg7[%get3A_127, %get3A_128] : memref<3x16xf32, #tpu.memory_space<vmem>>, vector<1x16xf32>
    %get3A_130 = vector.shape_cast %get3A_129 : vector<1x16xf32> to vector<16xf32>
    %broadcast_in_dim3A_131 = vector.shape_cast %get3A_130 : vector<16xf32> to vector<1x16xf32>
    %mul3A_132 = vector.broadcast %broadcast_in_dim3A_131 : vector<1x16xf32> to vector<512x16xf32>
    %mul3A_133 = arith.mulf %add3A_116, %mul3A_132 : vector<512x16xf32>
    %reduce_sum3A_134 = arith.constant dense<0.000000e+00> : vector<512xf32>
    %reduce_sum3A_135 = vector.multi_reduction <add>, %mul3A_133, %reduce_sum3A_134 [1] : vector<512x16xf32> to vector<512xf32>
    %broadcast_in_dim3A_136 = vector.shape_cast %reduce_sum3A_135 : vector<512xf32> to vector<512x1xf32>
    %add3A_137 = arith.addf %broadcast_in_dim3A_126, %broadcast_in_dim3A_136 : vector<512x1xf32>
    %mul3A_138 = vector.broadcast %add3A_137 : vector<512x1xf32> to vector<512x416xf32>
    %mul3A_139 = arith.mulf %add3A_29, %mul3A_138 : vector<512x416xf32>
    %get3A_140 = arith.constant 2 : index
    %get3A_141 = arith.constant 0 : index
    %get3A_142 = vector.load %arg8[%get3A_140, %get3A_141] : memref<3x416xf32, #tpu.memory_space<vmem>>, vector<1x416xf32>
    %get3A_143 = vector.shape_cast %get3A_142 : vector<1x416xf32> to vector<416xf32>
    %broadcast_in_dim3A_144 = vector.shape_cast %get3A_143 : vector<416xf32> to vector<1x416xf32>
    %add3A_145 = vector.broadcast %broadcast_in_dim3A_144 : vector<1x416xf32> to vector<512x416xf32>
    %add3A_146 = arith.addf %mul3A_139, %add3A_145 : vector<512x416xf32>
    %add3A_147 = arith.addf %add3A_146, %add3A_106 : vector<512x416xf32>
    %mul3A_148 = vector.broadcast %add3A_137 : vector<512x1xf32> to vector<512x16xf32>
    %mul3A_149 = arith.mulf %dot_general3A_34, %mul3A_148 : vector<512x16xf32>
    %get3A_150 = arith.constant 2 : index
    %get3A_151 = arith.constant 0 : index
    %get3A_152 = vector.load %arg9[%get3A_150, %get3A_151] : memref<3x16xf32, #tpu.memory_space<vmem>>, vector<1x16xf32>
    %get3A_153 = vector.shape_cast %get3A_152 : vector<1x16xf32> to vector<16xf32>
    %broadcast_in_dim3A_154 = vector.shape_cast %get3A_153 : vector<16xf32> to vector<1x16xf32>
    %add3A_155 = vector.broadcast %broadcast_in_dim3A_154 : vector<1x16xf32> to vector<512x16xf32>
    %add3A_156 = arith.addf %mul3A_149, %add3A_155 : vector<512x16xf32>
    %add3A_157 = arith.addf %add3A_156, %add3A_116 : vector<512x16xf32>
    %get3A_158 = arith.constant 0 : index
    %get3A_159 = arith.constant 0 : index
    %get3A_160 = vector.load %arg10[%get3A_158, %get3A_159] : memref<416x512xf32, #tpu.memory_space<vmem>>, vector<416x512xf32>
    %dot_general3A_161 = arith.constant dense<0.000000e+00> : vector<512x512xf32>
    %dot_general3A_162 = tpu.matmul %add3A_147, %get3A_160, %dot_general3A_161 {dimension_numbers = #tpu.dot_dimension_numbers<[1], [0], [0], [1], [0, 0, 1, 1], [], []>, transpose_lhs_hint = false} : vector<512x416xf32>, vector<416x512xf32>, vector<512x512xf32> -> vector<512x512xf32>
    %get3A_163 = arith.constant 0 : index
    %get3A_164 = arith.constant 0 : index
    %get3A_165 = vector.load %arg11[%get3A_163, %get3A_164] : memref<16x512xf32, #tpu.memory_space<vmem>>, vector<16x512xf32>
    %dot_general3A_166 = arith.constant dense<0.000000e+00> : vector<512x512xf32>
    %dot_general3A_167 = tpu.matmul %add3A_157, %get3A_165, %dot_general3A_166 {dimension_numbers = #tpu.dot_dimension_numbers<[1], [0], [0], [1], [0, 0, 1, 1], [], []>, transpose_lhs_hint = false} : vector<512x16xf32>, vector<16x512xf32>, vector<512x512xf32> -> vector<512x512xf32>
    %add3A_168 = arith.addf %dot_general3A_162, %dot_general3A_167 : vector<512x512xf32>
    %get3A_169 = arith.constant 0 : index
    %get3A_170 = arith.constant 0 : index
    %get3A_171 = vector.load %arg12[%get3A_169, %get3A_170] : memref<1x512xf32, #tpu.memory_space<vmem>>, vector<1x512xf32>
    %add3A_172 = vector.broadcast %get3A_171 : vector<1x512xf32> to vector<512x512xf32>
    %add3A_173 = arith.addf %add3A_168, %add3A_172 : vector<512x512xf32>
    %max3A = arith.constant 0.000000e+00 : f32
    %max3A_174 = vector.broadcast %max3A : f32 to vector<512x512xf32>
    %max3A_175 = arith.maximumf %add3A_173, %max3A_174 : vector<512x512xf32>
    %get3A_176 = arith.constant 0 : index
    %get3A_177 = arith.constant 0 : index
    %get3A_178 = vector.load %arg13[%get3A_176, %get3A_177] : memref<512x256xf32, #tpu.memory_space<vmem>>, vector<512x256xf32>
    %dot_general3A_179 = arith.constant dense<0.000000e+00> : vector<512x256xf32>
    %dot_general3A_180 = tpu.matmul %max3A_175, %get3A_178, %dot_general3A_179 {dimension_numbers = #tpu.dot_dimension_numbers<[1], [0], [0], [1], [0, 0, 1, 1], [], []>, transpose_lhs_hint = false} : vector<512x512xf32>, vector<512x256xf32>, vector<512x256xf32> -> vector<512x256xf32>
    %get3A_181 = arith.constant 0 : index
    %get3A_182 = arith.constant 0 : index
    %get3A_183 = vector.load %arg14[%get3A_181, %get3A_182] : memref<1x256xf32, #tpu.memory_space<vmem>>, vector<1x256xf32>
    %add3A_184 = vector.broadcast %get3A_183 : vector<1x256xf32> to vector<512x256xf32>
    %add3A_185 = arith.addf %dot_general3A_180, %add3A_184 : vector<512x256xf32>
    %max3A_186 = arith.constant 0.000000e+00 : f32
    %max3A_187 = vector.broadcast %max3A_186 : f32 to vector<512x256xf32>
    %max3A_188 = arith.maximumf %add3A_185, %max3A_187 : vector<512x256xf32>
    %get3A_189 = arith.constant 0 : index
    %get3A_190 = arith.constant 0 : index
    %get3A_191 = vector.load %arg15[%get3A_189, %get3A_190] : memref<256x128xf32, #tpu.memory_space<vmem>>, vector<256x128xf32>
    %dot_general3A_192 = arith.constant dense<0.000000e+00> : vector<512x128xf32>
    %dot_general3A_193 = tpu.matmul %max3A_188, %get3A_191, %dot_general3A_192 {dimension_numbers = #tpu.dot_dimension_numbers<[1], [0], [0], [1], [0, 0, 1, 1], [], []>, transpose_lhs_hint = false} : vector<512x256xf32>, vector<256x128xf32>, vector<512x128xf32> -> vector<512x128xf32>
    %get3A_194 = arith.constant 0 : index
    %get3A_195 = arith.constant 0 : index
    %get3A_196 = vector.load %arg16[%get3A_194, %get3A_195] : memref<1x128xf32, #tpu.memory_space<vmem>>, vector<1x128xf32>
    %add3A_197 = vector.broadcast %get3A_196 : vector<1x128xf32> to vector<512x128xf32>
    %add3A_198 = arith.addf %dot_general3A_193, %add3A_197 : vector<512x128xf32>
    %broadcast_in_dim3A_199 = arith.constant 0.000000e+00 : f32
    %broadcast_in_dim3A_200 = vector.broadcast %broadcast_in_dim3A_199 : f32 to vector<512x128xf32>
    %get3A_201 = arith.constant 0 : index
    %get3A_202 = arith.constant 0 : index
    %get3A_203 = arith.constant 0 : index
    %get3A_204 = vector.load %arg17[%get3A_201, %get3A_202, %get3A_203] : memref<4x416x512xf32, #tpu.memory_space<vmem>>, vector<1x416x512xf32>
    %get3A_205 = vector.shape_cast %get3A_204 : vector<1x416x512xf32> to vector<416x512xf32>
    %dot_general3A_206 = arith.constant dense<0.000000e+00> : vector<512x512xf32>
    %dot_general3A_207 = tpu.matmul %add3A_147, %get3A_205, %dot_general3A_206 {dimension_numbers = #tpu.dot_dimension_numbers<[1], [0], [0], [1], [0, 0, 1, 1], [], []>, transpose_lhs_hint = false} : vector<512x416xf32>, vector<416x512xf32>, vector<512x512xf32> -> vector<512x512xf32>
    %get3A_208 = arith.constant 0 : index
    %get3A_209 = arith.constant 0 : index
    %get3A_210 = arith.constant 0 : index
    %get3A_211 = vector.load %arg18[%get3A_208, %get3A_209, %get3A_210] : memref<4x16x512xf32, #tpu.memory_space<vmem>>, vector<1x16x512xf32>
    %get3A_212 = vector.shape_cast %get3A_211 : vector<1x16x512xf32> to vector<16x512xf32>
    %dot_general3A_213 = arith.constant dense<0.000000e+00> : vector<512x512xf32>
    %dot_general3A_214 = tpu.matmul %add3A_157, %get3A_212, %dot_general3A_213 {dimension_numbers = #tpu.dot_dimension_numbers<[1], [0], [0], [1], [0, 0, 1, 1], [], []>, transpose_lhs_hint = false} : vector<512x16xf32>, vector<16x512xf32>, vector<512x512xf32> -> vector<512x512xf32>
    %add3A_215 = arith.addf %dot_general3A_207, %dot_general3A_214 : vector<512x512xf32>
    %get3A_216 = arith.constant 0 : index
    %get3A_217 = arith.constant 0 : index
    %get3A_218 = vector.load %arg19[%get3A_216, %get3A_217] : memref<4x512xf32, #tpu.memory_space<vmem>>, vector<1x512xf32>
    %get3A_219 = vector.shape_cast %get3A_218 : vector<1x512xf32> to vector<512xf32>
    %broadcast_in_dim3A_220 = vector.shape_cast %get3A_219 : vector<512xf32> to vector<1x512xf32>
    %add3A_221 = vector.broadcast %broadcast_in_dim3A_220 : vector<1x512xf32> to vector<512x512xf32>
    %add3A_222 = arith.addf %add3A_215, %add3A_221 : vector<512x512xf32>
    %max3A_223 = arith.constant 0.000000e+00 : f32
    %max3A_224 = vector.broadcast %max3A_223 : f32 to vector<512x512xf32>
    %max3A_225 = arith.maximumf %add3A_222, %max3A_224 : vector<512x512xf32>
    %get3A_226 = arith.constant 0 : index
    %get3A_227 = arith.constant 0 : index
    %get3A_228 = arith.constant 0 : index
    %get3A_229 = vector.load %arg20[%get3A_226, %get3A_227, %get3A_228] : memref<4x512x256xf32, #tpu.memory_space<vmem>>, vector<1x512x256xf32>
    %get3A_230 = vector.shape_cast %get3A_229 : vector<1x512x256xf32> to vector<512x256xf32>
    %dot_general3A_231 = arith.constant dense<0.000000e+00> : vector<512x256xf32>
    %dot_general3A_232 = tpu.matmul %max3A_225, %get3A_230, %dot_general3A_231 {dimension_numbers = #tpu.dot_dimension_numbers<[1], [0], [0], [1], [0, 0, 1, 1], [], []>, transpose_lhs_hint = false} : vector<512x512xf32>, vector<512x256xf32>, vector<512x256xf32> -> vector<512x256xf32>
    %get3A_233 = arith.constant 0 : index
    %get3A_234 = arith.constant 0 : index
    %get3A_235 = vector.load %arg21[%get3A_233, %get3A_234] : memref<4x256xf32, #tpu.memory_space<vmem>>, vector<1x256xf32>
    %get3A_236 = vector.shape_cast %get3A_235 : vector<1x256xf32> to vector<256xf32>
    %broadcast_in_dim3A_237 = vector.shape_cast %get3A_236 : vector<256xf32> to vector<1x256xf32>
    %add3A_238 = vector.broadcast %broadcast_in_dim3A_237 : vector<1x256xf32> to vector<512x256xf32>
    %add3A_239 = arith.addf %dot_general3A_232, %add3A_238 : vector<512x256xf32>
    %max3A_240 = arith.constant 0.000000e+00 : f32
    %max3A_241 = vector.broadcast %max3A_240 : f32 to vector<512x256xf32>
    %max3A_242 = arith.maximumf %add3A_239, %max3A_241 : vector<512x256xf32>
    %get3A_243 = arith.constant 0 : index
    %get3A_244 = arith.constant 0 : index
    %get3A_245 = arith.constant 0 : index
    %get3A_246 = vector.load %arg22[%get3A_243, %get3A_244, %get3A_245] : memref<4x256x128xf32, #tpu.memory_space<vmem>>, vector<1x256x128xf32>
    %get3A_247 = vector.shape_cast %get3A_246 : vector<1x256x128xf32> to vector<256x128xf32>
    %dot_general3A_248 = arith.constant dense<0.000000e+00> : vector<512x128xf32>
    %dot_general3A_249 = tpu.matmul %max3A_242, %get3A_247, %dot_general3A_248 {dimension_numbers = #tpu.dot_dimension_numbers<[1], [0], [0], [1], [0, 0, 1, 1], [], []>, transpose_lhs_hint = false} : vector<512x256xf32>, vector<256x128xf32>, vector<512x128xf32> -> vector<512x128xf32>
    %get3A_250 = arith.constant 0 : index
    %get3A_251 = arith.constant 0 : index
    %get3A_252 = vector.load %arg23[%get3A_250, %get3A_251] : memref<4x128xf32, #tpu.memory_space<vmem>>, vector<1x128xf32>
    %get3A_253 = vector.shape_cast %get3A_252 : vector<1x128xf32> to vector<128xf32>
    %broadcast_in_dim3A_254 = vector.shape_cast %get3A_253 : vector<128xf32> to vector<1x128xf32>
    %add3A_255 = vector.broadcast %broadcast_in_dim3A_254 : vector<1x128xf32> to vector<512x128xf32>
    %add3A_256 = arith.addf %dot_general3A_249, %add3A_255 : vector<512x128xf32>
    %slice3A = vector.extract_strided_slice %get3A_4 {offsets = [0, 0], sizes = [512, 1], strides = [1, 1]} : vector<512x4xf32> to vector<512x1xf32>
    %mul3A_257 = vector.broadcast %slice3A : vector<512x1xf32> to vector<512x128xf32>
    %mul3A_258 = arith.mulf %mul3A_257, %add3A_256 : vector<512x128xf32>
    %add3A_259 = arith.addf %broadcast_in_dim3A_200, %mul3A_258 : vector<512x128xf32>
    %get3A_260 = arith.constant 1 : index
    %get3A_261 = arith.constant 0 : index
    %get3A_262 = arith.constant 0 : index
    %get3A_263 = vector.load %arg17[%get3A_260, %get3A_261, %get3A_262] : memref<4x416x512xf32, #tpu.memory_space<vmem>>, vector<1x416x512xf32>
    %get3A_264 = vector.shape_cast %get3A_263 : vector<1x416x512xf32> to vector<416x512xf32>
    %dot_general3A_265 = arith.constant dense<0.000000e+00> : vector<512x512xf32>
    %dot_general3A_266 = tpu.matmul %add3A_147, %get3A_264, %dot_general3A_265 {dimension_numbers = #tpu.dot_dimension_numbers<[1], [0], [0], [1], [0, 0, 1, 1], [], []>, transpose_lhs_hint = false} : vector<512x416xf32>, vector<416x512xf32>, vector<512x512xf32> -> vector<512x512xf32>
    %get3A_267 = arith.constant 1 : index
    %get3A_268 = arith.constant 0 : index
    %get3A_269 = arith.constant 0 : index
    %get3A_270 = vector.load %arg18[%get3A_267, %get3A_268, %get3A_269] : memref<4x16x512xf32, #tpu.memory_space<vmem>>, vector<1x16x512xf32>
    %get3A_271 = vector.shape_cast %get3A_270 : vector<1x16x512xf32> to vector<16x512xf32>
    %dot_general3A_272 = arith.constant dense<0.000000e+00> : vector<512x512xf32>
    %dot_general3A_273 = tpu.matmul %add3A_157, %get3A_271, %dot_general3A_272 {dimension_numbers = #tpu.dot_dimension_numbers<[1], [0], [0], [1], [0, 0, 1, 1], [], []>, transpose_lhs_hint = false} : vector<512x16xf32>, vector<16x512xf32>, vector<512x512xf32> -> vector<512x512xf32>
    %add3A_274 = arith.addf %dot_general3A_266, %dot_general3A_273 : vector<512x512xf32>
    %get3A_275 = arith.constant 1 : index
    %get3A_276 = arith.constant 0 : index
    %get3A_277 = vector.load %arg19[%get3A_275, %get3A_276] : memref<4x512xf32, #tpu.memory_space<vmem>>, vector<1x512xf32>
    %get3A_278 = vector.shape_cast %get3A_277 : vector<1x512xf32> to vector<512xf32>
    %broadcast_in_dim3A_279 = vector.shape_cast %get3A_278 : vector<512xf32> to vector<1x512xf32>
    %add3A_280 = vector.broadcast %broadcast_in_dim3A_279 : vector<1x512xf32> to vector<512x512xf32>
    %add3A_281 = arith.addf %add3A_274, %add3A_280 : vector<512x512xf32>
    %max3A_282 = arith.constant 0.000000e+00 : f32
    %max3A_283 = vector.broadcast %max3A_282 : f32 to vector<512x512xf32>
    %max3A_284 = arith.maximumf %add3A_281, %max3A_283 : vector<512x512xf32>
    %get3A_285 = arith.constant 1 : index
    %get3A_286 = arith.constant 0 : index
    %get3A_287 = arith.constant 0 : index
    %get3A_288 = vector.load %arg20[%get3A_285, %get3A_286, %get3A_287] : memref<4x512x256xf32, #tpu.memory_space<vmem>>, vector<1x512x256xf32>
    %get3A_289 = vector.shape_cast %get3A_288 : vector<1x512x256xf32> to vector<512x256xf32>
    %dot_general3A_290 = arith.constant dense<0.000000e+00> : vector<512x256xf32>
    %dot_general3A_291 = tpu.matmul %max3A_284, %get3A_289, %dot_general3A_290 {dimension_numbers = #tpu.dot_dimension_numbers<[1], [0], [0], [1], [0, 0, 1, 1], [], []>, transpose_lhs_hint = false} : vector<512x512xf32>, vector<512x256xf32>, vector<512x256xf32> -> vector<512x256xf32>
    %get3A_292 = arith.constant 1 : index
    %get3A_293 = arith.constant 0 : index
    %get3A_294 = vector.load %arg21[%get3A_292, %get3A_293] : memref<4x256xf32, #tpu.memory_space<vmem>>, vector<1x256xf32>
    %get3A_295 = vector.shape_cast %get3A_294 : vector<1x256xf32> to vector<256xf32>
    %broadcast_in_dim3A_296 = vector.shape_cast %get3A_295 : vector<256xf32> to vector<1x256xf32>
    %add3A_297 = vector.broadcast %broadcast_in_dim3A_296 : vector<1x256xf32> to vector<512x256xf32>
    %add3A_298 = arith.addf %dot_general3A_291, %add3A_297 : vector<512x256xf32>
    %max3A_299 = arith.constant 0.000000e+00 : f32
    %max3A_300 = vector.broadcast %max3A_299 : f32 to vector<512x256xf32>
    %max3A_301 = arith.maximumf %add3A_298, %max3A_300 : vector<512x256xf32>
    %get3A_302 = arith.constant 1 : index
    %get3A_303 = arith.constant 0 : index
    %get3A_304 = arith.constant 0 : index
    %get3A_305 = vector.load %arg22[%get3A_302, %get3A_303, %get3A_304] : memref<4x256x128xf32, #tpu.memory_space<vmem>>, vector<1x256x128xf32>
    %get3A_306 = vector.shape_cast %get3A_305 : vector<1x256x128xf32> to vector<256x128xf32>
    %dot_general3A_307 = arith.constant dense<0.000000e+00> : vector<512x128xf32>
    %dot_general3A_308 = tpu.matmul %max3A_301, %get3A_306, %dot_general3A_307 {dimension_numbers = #tpu.dot_dimension_numbers<[1], [0], [0], [1], [0, 0, 1, 1], [], []>, transpose_lhs_hint = false} : vector<512x256xf32>, vector<256x128xf32>, vector<512x128xf32> -> vector<512x128xf32>
    %get3A_309 = arith.constant 1 : index
    %get3A_310 = arith.constant 0 : index
    %get3A_311 = vector.load %arg23[%get3A_309, %get3A_310] : memref<4x128xf32, #tpu.memory_space<vmem>>, vector<1x128xf32>
    %get3A_312 = vector.shape_cast %get3A_311 : vector<1x128xf32> to vector<128xf32>
    %broadcast_in_dim3A_313 = vector.shape_cast %get3A_312 : vector<128xf32> to vector<1x128xf32>
    %add3A_314 = vector.broadcast %broadcast_in_dim3A_313 : vector<1x128xf32> to vector<512x128xf32>
    %add3A_315 = arith.addf %dot_general3A_308, %add3A_314 : vector<512x128xf32>
    %slice3A_316 = vector.extract_strided_slice %get3A_4 {offsets = [0, 1], sizes = [512, 1], strides = [1, 1]} : vector<512x4xf32> to vector<512x1xf32>
    %mul3A_317 = vector.broadcast %slice3A_316 : vector<512x1xf32> to vector<512x128xf32>
    %mul3A_318 = arith.mulf %mul3A_317, %add3A_315 : vector<512x128xf32>
    %add3A_319 = arith.addf %add3A_259, %mul3A_318 : vector<512x128xf32>
    %get3A_320 = arith.constant 2 : index
    %get3A_321 = arith.constant 0 : index
    %get3A_322 = arith.constant 0 : index
    %get3A_323 = vector.load %arg17[%get3A_320, %get3A_321, %get3A_322] : memref<4x416x512xf32, #tpu.memory_space<vmem>>, vector<1x416x512xf32>
    %get3A_324 = vector.shape_cast %get3A_323 : vector<1x416x512xf32> to vector<416x512xf32>
    %dot_general3A_325 = arith.constant dense<0.000000e+00> : vector<512x512xf32>
    %dot_general3A_326 = tpu.matmul %add3A_147, %get3A_324, %dot_general3A_325 {dimension_numbers = #tpu.dot_dimension_numbers<[1], [0], [0], [1], [0, 0, 1, 1], [], []>, transpose_lhs_hint = false} : vector<512x416xf32>, vector<416x512xf32>, vector<512x512xf32> -> vector<512x512xf32>
    %get3A_327 = arith.constant 2 : index
    %get3A_328 = arith.constant 0 : index
    %get3A_329 = arith.constant 0 : index
    %get3A_330 = vector.load %arg18[%get3A_327, %get3A_328, %get3A_329] : memref<4x16x512xf32, #tpu.memory_space<vmem>>, vector<1x16x512xf32>
    %get3A_331 = vector.shape_cast %get3A_330 : vector<1x16x512xf32> to vector<16x512xf32>
    %dot_general3A_332 = arith.constant dense<0.000000e+00> : vector<512x512xf32>
    %dot_general3A_333 = tpu.matmul %add3A_157, %get3A_331, %dot_general3A_332 {dimension_numbers = #tpu.dot_dimension_numbers<[1], [0], [0], [1], [0, 0, 1, 1], [], []>, transpose_lhs_hint = false} : vector<512x16xf32>, vector<16x512xf32>, vector<512x512xf32> -> vector<512x512xf32>
    %add3A_334 = arith.addf %dot_general3A_326, %dot_general3A_333 : vector<512x512xf32>
    %get3A_335 = arith.constant 2 : index
    %get3A_336 = arith.constant 0 : index
    %get3A_337 = vector.load %arg19[%get3A_335, %get3A_336] : memref<4x512xf32, #tpu.memory_space<vmem>>, vector<1x512xf32>
    %get3A_338 = vector.shape_cast %get3A_337 : vector<1x512xf32> to vector<512xf32>
    %broadcast_in_dim3A_339 = vector.shape_cast %get3A_338 : vector<512xf32> to vector<1x512xf32>
    %add3A_340 = vector.broadcast %broadcast_in_dim3A_339 : vector<1x512xf32> to vector<512x512xf32>
    %add3A_341 = arith.addf %add3A_334, %add3A_340 : vector<512x512xf32>
    %max3A_342 = arith.constant 0.000000e+00 : f32
    %max3A_343 = vector.broadcast %max3A_342 : f32 to vector<512x512xf32>
    %max3A_344 = arith.maximumf %add3A_341, %max3A_343 : vector<512x512xf32>
    %get3A_345 = arith.constant 2 : index
    %get3A_346 = arith.constant 0 : index
    %get3A_347 = arith.constant 0 : index
    %get3A_348 = vector.load %arg20[%get3A_345, %get3A_346, %get3A_347] : memref<4x512x256xf32, #tpu.memory_space<vmem>>, vector<1x512x256xf32>
    %get3A_349 = vector.shape_cast %get3A_348 : vector<1x512x256xf32> to vector<512x256xf32>
    %dot_general3A_350 = arith.constant dense<0.000000e+00> : vector<512x256xf32>
    %dot_general3A_351 = tpu.matmul %max3A_344, %get3A_349, %dot_general3A_350 {dimension_numbers = #tpu.dot_dimension_numbers<[1], [0], [0], [1], [0, 0, 1, 1], [], []>, transpose_lhs_hint = false} : vector<512x512xf32>, vector<512x256xf32>, vector<512x256xf32> -> vector<512x256xf32>
    %get3A_352 = arith.constant 2 : index
    %get3A_353 = arith.constant 0 : index
    %get3A_354 = vector.load %arg21[%get3A_352, %get3A_353] : memref<4x256xf32, #tpu.memory_space<vmem>>, vector<1x256xf32>
    %get3A_355 = vector.shape_cast %get3A_354 : vector<1x256xf32> to vector<256xf32>
    %broadcast_in_dim3A_356 = vector.shape_cast %get3A_355 : vector<256xf32> to vector<1x256xf32>
    %add3A_357 = vector.broadcast %broadcast_in_dim3A_356 : vector<1x256xf32> to vector<512x256xf32>
    %add3A_358 = arith.addf %dot_general3A_351, %add3A_357 : vector<512x256xf32>
    %max3A_359 = arith.constant 0.000000e+00 : f32
    %max3A_360 = vector.broadcast %max3A_359 : f32 to vector<512x256xf32>
    %max3A_361 = arith.maximumf %add3A_358, %max3A_360 : vector<512x256xf32>
    %get3A_362 = arith.constant 2 : index
    %get3A_363 = arith.constant 0 : index
    %get3A_364 = arith.constant 0 : index
    %get3A_365 = vector.load %arg22[%get3A_362, %get3A_363, %get3A_364] : memref<4x256x128xf32, #tpu.memory_space<vmem>>, vector<1x256x128xf32>
    %get3A_366 = vector.shape_cast %get3A_365 : vector<1x256x128xf32> to vector<256x128xf32>
    %dot_general3A_367 = arith.constant dense<0.000000e+00> : vector<512x128xf32>
    %dot_general3A_368 = tpu.matmul %max3A_361, %get3A_366, %dot_general3A_367 {dimension_numbers = #tpu.dot_dimension_numbers<[1], [0], [0], [1], [0, 0, 1, 1], [], []>, transpose_lhs_hint = false} : vector<512x256xf32>, vector<256x128xf32>, vector<512x128xf32> -> vector<512x128xf32>
    %get3A_369 = arith.constant 2 : index
    %get3A_370 = arith.constant 0 : index
    %get3A_371 = vector.load %arg23[%get3A_369, %get3A_370] : memref<4x128xf32, #tpu.memory_space<vmem>>, vector<1x128xf32>
    %get3A_372 = vector.shape_cast %get3A_371 : vector<1x128xf32> to vector<128xf32>
    %broadcast_in_dim3A_373 = vector.shape_cast %get3A_372 : vector<128xf32> to vector<1x128xf32>
    %add3A_374 = vector.broadcast %broadcast_in_dim3A_373 : vector<1x128xf32> to vector<512x128xf32>
    %add3A_375 = arith.addf %dot_general3A_368, %add3A_374 : vector<512x128xf32>
    %slice3A_376 = vector.extract_strided_slice %get3A_4 {offsets = [0, 2], sizes = [512, 1], strides = [1, 1]} : vector<512x4xf32> to vector<512x1xf32>
    %mul3A_377 = vector.broadcast %slice3A_376 : vector<512x1xf32> to vector<512x128xf32>
    %mul3A_378 = arith.mulf %mul3A_377, %add3A_375 : vector<512x128xf32>
    %add3A_379 = arith.addf %add3A_319, %mul3A_378 : vector<512x128xf32>
    %get3A_380 = arith.constant 3 : index
    %get3A_381 = arith.constant 0 : index
    %get3A_382 = arith.constant 0 : index
    %get3A_383 = vector.load %arg17[%get3A_380, %get3A_381, %get3A_382] : memref<4x416x512xf32, #tpu.memory_space<vmem>>, vector<1x416x512xf32>
    %get3A_384 = vector.shape_cast %get3A_383 : vector<1x416x512xf32> to vector<416x512xf32>
    %dot_general3A_385 = arith.constant dense<0.000000e+00> : vector<512x512xf32>
    %dot_general3A_386 = tpu.matmul %add3A_147, %get3A_384, %dot_general3A_385 {dimension_numbers = #tpu.dot_dimension_numbers<[1], [0], [0], [1], [0, 0, 1, 1], [], []>, transpose_lhs_hint = false} : vector<512x416xf32>, vector<416x512xf32>, vector<512x512xf32> -> vector<512x512xf32>
    %get3A_387 = arith.constant 3 : index
    %get3A_388 = arith.constant 0 : index
    %get3A_389 = arith.constant 0 : index
    %get3A_390 = vector.load %arg18[%get3A_387, %get3A_388, %get3A_389] : memref<4x16x512xf32, #tpu.memory_space<vmem>>, vector<1x16x512xf32>
    %get3A_391 = vector.shape_cast %get3A_390 : vector<1x16x512xf32> to vector<16x512xf32>
    %dot_general3A_392 = arith.constant dense<0.000000e+00> : vector<512x512xf32>
    %dot_general3A_393 = tpu.matmul %add3A_157, %get3A_391, %dot_general3A_392 {dimension_numbers = #tpu.dot_dimension_numbers<[1], [0], [0], [1], [0, 0, 1, 1], [], []>, transpose_lhs_hint = false} : vector<512x16xf32>, vector<16x512xf32>, vector<512x512xf32> -> vector<512x512xf32>
    %add3A_394 = arith.addf %dot_general3A_386, %dot_general3A_393 : vector<512x512xf32>
    %get3A_395 = arith.constant 3 : index
    %get3A_396 = arith.constant 0 : index
    %get3A_397 = vector.load %arg19[%get3A_395, %get3A_396] : memref<4x512xf32, #tpu.memory_space<vmem>>, vector<1x512xf32>
    %get3A_398 = vector.shape_cast %get3A_397 : vector<1x512xf32> to vector<512xf32>
    %broadcast_in_dim3A_399 = vector.shape_cast %get3A_398 : vector<512xf32> to vector<1x512xf32>
    %add3A_400 = vector.broadcast %broadcast_in_dim3A_399 : vector<1x512xf32> to vector<512x512xf32>
    %add3A_401 = arith.addf %add3A_394, %add3A_400 : vector<512x512xf32>
    %max3A_402 = arith.constant 0.000000e+00 : f32
    %max3A_403 = vector.broadcast %max3A_402 : f32 to vector<512x512xf32>
    %max3A_404 = arith.maximumf %add3A_401, %max3A_403 : vector<512x512xf32>
    %get3A_405 = arith.constant 3 : index
    %get3A_406 = arith.constant 0 : index
    %get3A_407 = arith.constant 0 : index
    %get3A_408 = vector.load %arg20[%get3A_405, %get3A_406, %get3A_407] : memref<4x512x256xf32, #tpu.memory_space<vmem>>, vector<1x512x256xf32>
    %get3A_409 = vector.shape_cast %get3A_408 : vector<1x512x256xf32> to vector<512x256xf32>
    %dot_general3A_410 = arith.constant dense<0.000000e+00> : vector<512x256xf32>
    %dot_general3A_411 = tpu.matmul %max3A_404, %get3A_409, %dot_general3A_410 {dimension_numbers = #tpu.dot_dimension_numbers<[1], [0], [0], [1], [0, 0, 1, 1], [], []>, transpose_lhs_hint = false} : vector<512x512xf32>, vector<512x256xf32>, vector<512x256xf32> -> vector<512x256xf32>
    %get3A_412 = arith.constant 3 : index
    %get3A_413 = arith.constant 0 : index
    %get3A_414 = vector.load %arg21[%get3A_412, %get3A_413] : memref<4x256xf32, #tpu.memory_space<vmem>>, vector<1x256xf32>
    %get3A_415 = vector.shape_cast %get3A_414 : vector<1x256xf32> to vector<256xf32>
    %broadcast_in_dim3A_416 = vector.shape_cast %get3A_415 : vector<256xf32> to vector<1x256xf32>
    %add3A_417 = vector.broadcast %broadcast_in_dim3A_416 : vector<1x256xf32> to vector<512x256xf32>
    %add3A_418 = arith.addf %dot_general3A_411, %add3A_417 : vector<512x256xf32>
    %max3A_419 = arith.constant 0.000000e+00 : f32
    %max3A_420 = vector.broadcast %max3A_419 : f32 to vector<512x256xf32>
    %max3A_421 = arith.maximumf %add3A_418, %max3A_420 : vector<512x256xf32>
    %get3A_422 = arith.constant 3 : index
    %get3A_423 = arith.constant 0 : index
    %get3A_424 = arith.constant 0 : index
    %get3A_425 = vector.load %arg22[%get3A_422, %get3A_423, %get3A_424] : memref<4x256x128xf32, #tpu.memory_space<vmem>>, vector<1x256x128xf32>
    %get3A_426 = vector.shape_cast %get3A_425 : vector<1x256x128xf32> to vector<256x128xf32>
    %dot_general3A_427 = arith.constant dense<0.000000e+00> : vector<512x128xf32>
    %dot_general3A_428 = tpu.matmul %max3A_421, %get3A_426, %dot_general3A_427 {dimension_numbers = #tpu.dot_dimension_numbers<[1], [0], [0], [1], [0, 0, 1, 1], [], []>, transpose_lhs_hint = false} : vector<512x256xf32>, vector<256x128xf32>, vector<512x128xf32> -> vector<512x128xf32>
    %get3A_429 = arith.constant 3 : index
    %get3A_430 = arith.constant 0 : index
    %get3A_431 = vector.load %arg23[%get3A_429, %get3A_430] : memref<4x128xf32, #tpu.memory_space<vmem>>, vector<1x128xf32>
    %get3A_432 = vector.shape_cast %get3A_431 : vector<1x128xf32> to vector<128xf32>
    %broadcast_in_dim3A_433 = vector.shape_cast %get3A_432 : vector<128xf32> to vector<1x128xf32>
    %add3A_434 = vector.broadcast %broadcast_in_dim3A_433 : vector<1x128xf32> to vector<512x128xf32>
    %add3A_435 = arith.addf %dot_general3A_428, %add3A_434 : vector<512x128xf32>
    %slice3A_436 = vector.extract_strided_slice %get3A_4 {offsets = [0, 3], sizes = [512, 1], strides = [1, 1]} : vector<512x4xf32> to vector<512x1xf32>
    %mul3A_437 = vector.broadcast %slice3A_436 : vector<512x1xf32> to vector<512x128xf32>
    %mul3A_438 = arith.mulf %mul3A_437, %add3A_435 : vector<512x128xf32>
    %add3A_439 = arith.addf %add3A_379, %mul3A_438 : vector<512x128xf32>
    %tanh3A = math.tanh %add3A_439 : vector<512x128xf32>
    %mul3A_440 = arith.mulf %add3A_198, %tanh3A : vector<512x128xf32>
    %get3A_441 = arith.constant 0 : index
    %get3A_442 = arith.constant 0 : index
    %get3A_443 = vector.load %arg24[%get3A_441, %get3A_442] : memref<128x64xf32, #tpu.memory_space<vmem>>, vector<128x64xf32>
    %dot_general3A_444 = arith.constant dense<0.000000e+00> : vector<512x64xf32>
    %dot_general3A_445 = tpu.matmul %mul3A_440, %get3A_443, %dot_general3A_444 {dimension_numbers = #tpu.dot_dimension_numbers<[1], [0], [0], [1], [0, 0, 1, 1], [], []>, transpose_lhs_hint = false} : vector<512x128xf32>, vector<128x64xf32>, vector<512x64xf32> -> vector<512x64xf32>
    %get3A_446 = arith.constant 0 : index
    %get3A_447 = arith.constant 0 : index
    %get3A_448 = vector.load %arg25[%get3A_446, %get3A_447] : memref<1x64xf32, #tpu.memory_space<vmem>>, vector<1x64xf32>
    %add3A_449 = vector.broadcast %get3A_448 : vector<1x64xf32> to vector<512x64xf32>
    %add3A_450 = arith.addf %dot_general3A_445, %add3A_449 : vector<512x64xf32>
    %max3A_451 = arith.constant 0.000000e+00 : f32
    %max3A_452 = vector.broadcast %max3A_451 : f32 to vector<512x64xf32>
    %max3A_453 = arith.maximumf %add3A_450, %max3A_452 : vector<512x64xf32>
    %get3A_454 = arith.constant 0 : index
    %get3A_455 = arith.constant 0 : index
    %get3A_456 = vector.load %arg26[%get3A_454, %get3A_455] : memref<64x1xf32, #tpu.memory_space<vmem>>, vector<64x1xf32>
    %dot_general3A_457 = arith.constant dense<0.000000e+00> : vector<512x1xf32>
    %dot_general3A_458 = tpu.matmul %max3A_453, %get3A_456, %dot_general3A_457 {dimension_numbers = #tpu.dot_dimension_numbers<[1], [0], [0], [1], [0, 0, 1, 1], [], []>, transpose_lhs_hint = false} : vector<512x64xf32>, vector<64x1xf32>, vector<512x1xf32> -> vector<512x1xf32>
    %get3A_459 = arith.constant 0 : index
    %get3A_460 = arith.constant 0 : index
    %get3A_461 = vector.load %arg27[%get3A_459, %get3A_460] : memref<1x1xf32, #tpu.memory_space<vmem>>, vector<1x1xf32>
    %add3A_462 = vector.broadcast %get3A_461 : vector<1x1xf32> to vector<512x1xf32>
    %add3A_463 = arith.addf %dot_general3A_458, %add3A_462 : vector<512x1xf32>
    %get3A_464 = arith.constant 0 : index
    %get3A_465 = arith.constant 0 : index
    %get3A_466 = vector.load %arg28[%get3A_464, %get3A_465] : memref<16x32xf32, #tpu.memory_space<vmem>>, vector<16x32xf32>
    %dot_general3A_467 = arith.constant dense<0.000000e+00> : vector<512x32xf32>
    %dot_general3A_468 = tpu.matmul %dot_general3A_34, %get3A_466, %dot_general3A_467 {dimension_numbers = #tpu.dot_dimension_numbers<[1], [0], [0], [1], [0, 0, 1, 1], [], []>, transpose_lhs_hint = false} : vector<512x16xf32>, vector<16x32xf32>, vector<512x32xf32> -> vector<512x32xf32>
    %get3A_469 = arith.constant 0 : index
    %get3A_470 = arith.constant 0 : index
    %get3A_471 = vector.load %arg29[%get3A_469, %get3A_470] : memref<1x32xf32, #tpu.memory_space<vmem>>, vector<1x32xf32>
    %add3A_472 = vector.broadcast %get3A_471 : vector<1x32xf32> to vector<512x32xf32>
    %add3A_473 = arith.addf %dot_general3A_468, %add3A_472 : vector<512x32xf32>
    %max3A_474 = arith.constant 0.000000e+00 : f32
    %max3A_475 = vector.broadcast %max3A_474 : f32 to vector<512x32xf32>
    %max3A_476 = arith.maximumf %add3A_473, %max3A_475 : vector<512x32xf32>
    %get3A_477 = arith.constant 0 : index
    %get3A_478 = arith.constant 0 : index
    %get3A_479 = vector.load %arg30[%get3A_477, %get3A_478] : memref<32x1xf32, #tpu.memory_space<vmem>>, vector<32x1xf32>
    %dot_general3A_480 = arith.constant dense<0.000000e+00> : vector<512x1xf32>
    %dot_general3A_481 = tpu.matmul %max3A_476, %get3A_479, %dot_general3A_480 {dimension_numbers = #tpu.dot_dimension_numbers<[1], [0], [0], [1], [0, 0, 1, 1], [], []>, transpose_lhs_hint = false} : vector<512x32xf32>, vector<32x1xf32>, vector<512x1xf32> -> vector<512x1xf32>
    %get3A_482 = arith.constant 0 : index
    %get3A_483 = arith.constant 0 : index
    %get3A_484 = vector.load %arg31[%get3A_482, %get3A_483] : memref<1x1xf32, #tpu.memory_space<vmem>>, vector<1x1xf32>
    %add3A_485 = vector.broadcast %get3A_484 : vector<1x1xf32> to vector<512x1xf32>
    %add3A_486 = arith.addf %dot_general3A_481, %add3A_485 : vector<512x1xf32>
    %add3A_487 = arith.addf %add3A_463, %add3A_486 : vector<512x1xf32>
    %logistic3A = arith.negf %add3A_487 : vector<512x1xf32>
    %logistic3A_488 = math.exp %logistic3A : vector<512x1xf32>
    %logistic3A_489 = arith.constant 1.000000e+00 : f32
    %logistic3A_490 = vector.broadcast %logistic3A_489 : f32 to vector<512x1xf32>
    %logistic3A_491 = arith.addf %logistic3A_490, %logistic3A_488 : vector<512x1xf32>
    %logistic3A_492 = arith.divf %logistic3A_490, %logistic3A_491 : vector<512x1xf32>
    %swap3A = arith.constant 0 : index
    %swap3A_493 = arith.constant 0 : index
    %swap3A_494 = vector.load %arg32[%swap3A, %swap3A_493] : memref<512x1xf32, #tpu.memory_space<vmem>>, vector<512x1xf32>
    tpu.vector_store %arg32[%swap3A, %swap3A_493], %logistic3A_492 {strides = array<i32>} : memref<512x1xf32, #tpu.memory_space<vmem>>, vector<512x1xf32>,
    return
  }
  func.func @transform_0(%arg0: i32) -> (i32, i32) {
    %c0_i32 = arith.constant 0 : i32
    %c0_i32_0 = arith.constant 0 : i32
    return %arg0, %c0_i32 : i32, i32
  }
  func.func @transform_1(%arg0: i32) -> (i32, i32) {
    %c0_i32 = arith.constant 0 : i32
    %c0_i32_0 = arith.constant 0 : i32
    return %arg0, %c0_i32 : i32, i32
  }
  func.func @transform_2(%arg0: i32) -> (i32, i32) {
    %c0_i32 = arith.constant 0 : i32
    %c0_i32_0 = arith.constant 0 : i32
    %c0_i32_1 = arith.constant 0 : i32
    return %c0_i32, %c0_i32_0 : i32, i32
  }
  func.func @transform_3(%arg0: i32) -> (i32, i32) {
    %c0_i32 = arith.constant 0 : i32
    %c0_i32_0 = arith.constant 0 : i32
    %c0_i32_1 = arith.constant 0 : i32
    return %c0_i32, %c0_i32_0 : i32, i32
  }
  func.func @transform_4(%arg0: i32) -> (i32, i32) {
    %c0_i32 = arith.constant 0 : i32
    %c0_i32_0 = arith.constant 0 : i32
    %c0_i32_1 = arith.constant 0 : i32
    return %c0_i32, %c0_i32_0 : i32, i32
  }
  func.func @transform_5(%arg0: i32) -> (i32, i32) {
    %c0_i32 = arith.constant 0 : i32
    %c0_i32_0 = arith.constant 0 : i32
    %c0_i32_1 = arith.constant 0 : i32
    return %c0_i32, %c0_i32_0 : i32, i32
  }
  func.func @transform_6(%arg0: i32) -> (i32, i32) {
    %c0_i32 = arith.constant 0 : i32
    %c0_i32_0 = arith.constant 0 : i32
    %c0_i32_1 = arith.constant 0 : i32
    return %c0_i32, %c0_i32_0 : i32, i32
  }
  func.func @transform_7(%arg0: i32) -> (i32, i32) {
    %c0_i32 = arith.constant 0 : i32
    %c0_i32_0 = arith.constant 0 : i32
    %c0_i32_1 = arith.constant 0 : i32
    return %c0_i32, %c0_i32_0 : i32, i32
  }
  func.func @transform_8(%arg0: i32) -> (i32, i32) {
    %c0_i32 = arith.constant 0 : i32
    %c0_i32_0 = arith.constant 0 : i32
    %c0_i32_1 = arith.constant 0 : i32
    return %c0_i32, %c0_i32_0 : i32, i32
  }
  func.func @transform_9(%arg0: i32) -> (i32, i32) {
    %c0_i32 = arith.constant 0 : i32
    %c0_i32_0 = arith.constant 0 : i32
    %c0_i32_1 = arith.constant 0 : i32
    return %c0_i32, %c0_i32_0 : i32, i32
  }
  func.func @transform_10(%arg0: i32) -> (i32, i32) {
    %c0_i32 = arith.constant 0 : i32
    %c0_i32_0 = arith.constant 0 : i32
    %c0_i32_1 = arith.constant 0 : i32
    return %c0_i32, %c0_i32_0 : i32, i32
  }
  func.func @transform_11(%arg0: i32) -> (i32, i32) {
    %c0_i32 = arith.constant 0 : i32
    %c0_i32_0 = arith.constant 0 : i32
    %c0_i32_1 = arith.constant 0 : i32
    return %c0_i32, %c0_i32_0 : i32, i32
  }
  func.func @transform_12(%arg0: i32) -> (i32, i32) {
    %c0_i32 = arith.constant 0 : i32
    %c0_i32_0 = arith.constant 0 : i32
    %c0_i32_1 = arith.constant 0 : i32
    return %c0_i32, %c0_i32_0 : i32, i32
  }
  func.func @transform_13(%arg0: i32) -> (i32, i32) {
    %c0_i32 = arith.constant 0 : i32
    %c0_i32_0 = arith.constant 0 : i32
    %c0_i32_1 = arith.constant 0 : i32
    return %c0_i32, %c0_i32_0 : i32, i32
  }
  func.func @transform_14(%arg0: i32) -> (i32, i32) {
    %c0_i32 = arith.constant 0 : i32
    %c0_i32_0 = arith.constant 0 : i32
    %c0_i32_1 = arith.constant 0 : i32
    return %c0_i32, %c0_i32_0 : i32, i32
  }
  func.func @transform_15(%arg0: i32) -> (i32, i32) {
    %c0_i32 = arith.constant 0 : i32
    %c0_i32_0 = arith.constant 0 : i32
    %c0_i32_1 = arith.constant 0 : i32
    return %c0_i32, %c0_i32_0 : i32, i32
  }
  func.func @transform_16(%arg0: i32) -> (i32, i32, i32) {
    %c0_i32 = arith.constant 0 : i32
    %c0_i32_0 = arith.constant 0 : i32
    %c0_i32_1 = arith.constant 0 : i32
    %c0_i32_2 = arith.constant 0 : i32
    return %c0_i32, %c0_i32_0, %c0_i32_1 : i32, i32, i32
  }
  func.func @transform_17(%arg0: i32) -> (i32, i32, i32) {
    %c0_i32 = arith.constant 0 : i32
    %c0_i32_0 = arith.constant 0 : i32
    %c0_i32_1 = arith.constant 0 : i32
    %c0_i32_2 = arith.constant 0 : i32
    return %c0_i32, %c0_i32_0, %c0_i32_1 : i32, i32, i32
  }
  func.func @transform_18(%arg0: i32) -> (i32, i32) {
    %c0_i32 = arith.constant 0 : i32
    %c0_i32_0 = arith.constant 0 : i32
    %c0_i32_1 = arith.constant 0 : i32
    return %c0_i32, %c0_i32_0 : i32, i32
  }
  func.func @transform_19(%arg0: i32) -> (i32, i32, i32) {
    %c0_i32 = arith.constant 0 : i32
    %c0_i32_0 = arith.constant 0 : i32
    %c0_i32_1 = arith.constant 0 : i32
    %c0_i32_2 = arith.constant 0 : i32
    return %c0_i32, %c0_i32_0, %c0_i32_1 : i32, i32, i32
  }
  func.func @transform_20(%arg0: i32) -> (i32, i32) {
    %c0_i32 = arith.constant 0 : i32
    %c0_i32_0 = arith.constant 0 : i32
    %c0_i32_1 = arith.constant 0 : i32
    return %c0_i32, %c0_i32_0 : i32, i32
  }
  func.func @transform_21(%arg0: i32) -> (i32, i32, i32) {
    %c0_i32 = arith.constant 0 : i32
    %c0_i32_0 = arith.constant 0 : i32
    %c0_i32_1 = arith.constant 0 : i32
    %c0_i32_2 = arith.constant 0 : i32
    return %c0_i32, %c0_i32_0, %c0_i32_1 : i32, i32, i32
  }
  func.func @transform_22(%arg0: i32) -> (i32, i32) {
    %c0_i32 = arith.constant 0 : i32
    %c0_i32_0 = arith.constant 0 : i32
    %c0_i32_1 = arith.constant 0 : i32
    return %c0_i32, %c0_i32_0 : i32, i32
  }
  func.func @transform_23(%arg0: i32) -> (i32, i32) {
    %c0_i32 = arith.constant 0 : i32
    %c0_i32_0 = arith.constant 0 : i32
    %c0_i32_1 = arith.constant 0 : i32
    return %c0_i32, %c0_i32_0 : i32, i32
  }
  func.func @transform_24(%arg0: i32) -> (i32, i32) {
    %c0_i32 = arith.constant 0 : i32
    %c0_i32_0 = arith.constant 0 : i32
    %c0_i32_1 = arith.constant 0 : i32
    return %c0_i32, %c0_i32_0 : i32, i32
  }
  func.func @transform_25(%arg0: i32) -> (i32, i32) {
    %c0_i32 = arith.constant 0 : i32
    %c0_i32_0 = arith.constant 0 : i32
    %c0_i32_1 = arith.constant 0 : i32
    return %c0_i32, %c0_i32_0 : i32, i32
  }
  func.func @transform_26(%arg0: i32) -> (i32, i32) {
    %c0_i32 = arith.constant 0 : i32
    %c0_i32_0 = arith.constant 0 : i32
    %c0_i32_1 = arith.constant 0 : i32
    return %c0_i32, %c0_i32_0 : i32, i32
  }
  func.func @transform_27(%arg0: i32) -> (i32, i32) {
    %c0_i32 = arith.constant 0 : i32
    %c0_i32_0 = arith.constant 0 : i32
    %c0_i32_1 = arith.constant 0 : i32
    return %c0_i32, %c0_i32_0 : i32, i32
  }
  func.func @transform_28(%arg0: i32) -> (i32, i32) {
    %c0_i32 = arith.constant 0 : i32
    %c0_i32_0 = arith.constant 0 : i32
    %c0_i32_1 = arith.constant 0 : i32
    return %c0_i32, %c0_i32_0 : i32, i32
  }
  func.func @transform_29(%arg0: i32) -> (i32, i32) {
    %c0_i32 = arith.constant 0 : i32
    %c0_i32_0 = arith.constant 0 : i32
    %c0_i32_1 = arith.constant 0 : i32
    return %c0_i32, %c0_i32_0 : i32, i32
  }
  func.func @transform_30(%arg0: i32) -> (i32, i32) {
    %c0_i32 = arith.constant 0 : i32
    %c0_i32_0 = arith.constant 0 : i32
    %c0_i32_1 = arith.constant 0 : i32
    return %c0_i32, %c0_i32_0 : i32, i32
  }
  func.func @transform_31(%arg0: i32) -> (i32, i32) {
    %c0_i32 = arith.constant 0 : i32
    %c0_i32_0 = arith.constant 0 : i32
    return %arg0, %c0_i32 : i32, i32
  }
}

</mosaic_0001>

<sc_bundles>
// kernel: kernel.5.cloned.1.call-start
scs
__scs_entry_jumppad:
0x0: {  	(pc) =	sbr.rel $0x88, $3  }
0x1: {  	(tag) =	ssettag $0x0;
	lr =	simm.s32 $0x1  }
0x2: {  	[smem:$0x3F85] =	sst lr;
	_ =	strace $0xD0000000  }
0x3: {  	_ = 	snop  }
0x4: {  	_ = 	snop  }
0x5: {  	_ = 	snop  }
0x6: {  	_ = 	snop  }
0x7: {  	_ = 	snop  }
__scs_overlays_trampoline_lowered:
0x8: {  	[smem:$0x3F94] =	sst s0  }
0x9: {  	[smem:$0x3F95] =	sst s1  }
0xa: {  	[smem:$0x3F96] =	sst s2  }
0xb: {  	[smem:$0x3F97] =	sst s3  }
0xc: {  	[smem:$0x3F98] =	sst s4  }
0xd: {  	[smem:$0x3F99] =	sst s5  }
0xe: {  	[smem:$0x3F9A] =	sst s6  }
0xf: {  	[smem:$0x3F9B] =	sst s7  }
0x10: {  	[smem:$0x3F9C] =	sst s8  }
0x11: {  	[smem:$0x3F9D] =	sst s9;
	s0 =	simm.s32 @!p0 $0x0  }
0x12: {  	s1 =	sld [smem:$0x3F83];
	s0 =	simm.s32 @p0 $0x1  }
0x13: {  	[smem:$0x3F9E] =	sst s0;
	s0 =	simm.s32 @!p1 $0x0  }
0x14: {  	s2 =	sld [smem:$0x3F82];
	s0 =	simm.s32 @p1 $0x1  }
0x15: {  	[smem:$0x3F9F] =	sst s0;
	s0 =	simm.s32 @!p2 $0x0  }
0x16: {  	s3 =	sld [smem:$0x3FDB];
	s0 =	simm.s32 @p2 $0x1  }
0x17: {  	s4 =	simm.s32 $0x1BF5;
	[smem:$0x3FA1] =	sst s0  }
0x18: {  	s0 =	sld [smem:$0x3F84];
	_ =	swait.ge [sflag:s4], $0x0  }
0x19: {  	s7 =	sld [smem:$0x3F85]  }
0x1a: {  	s8 =	sadd.s32 $0xFFFFE003, lr  }
0x1b: {  	s9 =	sadd.s32 $0xFFFFFEF7, lr;
	s5 =	simm.s32 $0xFFFFFFFF;
	p2 =	slt.u32 s8, $0xFFFFF086  }
0x1c: {  	p1 =	slt.u32 s9, $0xF7A;
	s5 =	simm.s32 @!p2 $0x0  }
0x1d: {  	s5 =	simm.s32 @p1 $0x1;
	p0 =	seq.s32 s7, s2  }
0x1e: {  	s7 =	smul.u32 @!p0 $0xF7A, s2;
	p2 =	seq.s32 @!p0 s5, $0x0  }
0x1f: {  	s9 =	smul.u32 $0xF7A, s1;
	s8 =	simm.s32 @!p0 $0x1BF5;
	p2 =	por !p2, p0  }
0x20: {  	[sflag:s8] =	ssyncset.s32 @!p0 $0xFFFFF086;
	s6 =	sadd.s32 @!p0 s3, s7;
	s7 =	simm.s32 @!p0 $0x108  }
0x21: {  	s3 =	sadd.s32 s3, s9;
	s6 =	sadd.s32 @!p0 $0x88, s6;
	s7 =	simm.s32 @p2 $0x1082  }
0x22: {  	[simem:s7], [sflag:s8] =	dma.local @!p0 [hbm:s6], $0xF7A  }
0x23: {  	s9 =	sor.u32 $0xD0000000, s2;
	s6 =	simm.s32 $0x108;
	_ =	swait.ge @!p0 [sflag:s8], $0x0  }
0x24: {  	s3 =	sadd.s32 $0x88, s3;
	s6 =	simm.s32 @!p1 $0x1082;
	[sflag:s4] =	ssyncset.s32 $0xFFFFF086  }
0x25: {  	[simem:s6], [sflag:s4] =	dma.local [hbm:s3], $0xF7A  }
0x26: {  	[smem:$0x3F85] =	sst s1;
	(tag) =	ssettag s2;
	_ =	strace s9  }
0x27: {  	s1 =	sld [smem:$0x3F95]  }
0x28: {  	s2 =	sld [smem:$0x3F96]  }
0x29: {  	s4 =	sld [smem:$0x3F98]  }
0x2a: {  	p0 =	seq.s32 s5, $0x0;
	s5 =	sld [smem:$0x3F99]  }
0x2b: {  	s6 =	sld [smem:$0x3F9A]  }
0x2c: {  	s7 =	sld [smem:$0x3F9B]  }
0x2d: {  	s3 =	simm.s32 $0x108;
	s8 =	sld [smem:$0x3F9C]  }
0x2e: {  	s3 =	simm.s32 @!p0 $0x1082;
	s9 =	sld [smem:$0x3F9D]  }
0x2f: {  	lr =	sadd.s32 s0, s3;
	s0 =	sld [smem:$0x3F94]  }
0x30: {  	s3 =	sld [smem:$0x3F97]  }
0x31: {  	[smem:$0x3FA0] =	sst s10  }
0x32: {  	s10 =	sld [smem:$0x3F9E];
	_ =	sdelay $0x3  }
0x33: {  	p0 =	seq.s32 s10, $0x1;
	s10 =	sld [smem:$0x3FA0];
	_ =	sdelay $0x3  }
0x34: {  	[smem:$0x3FA0] =	sst s10  }
0x35: {  	s10 =	sld [smem:$0x3F9F];
	_ =	sdelay $0x3  }
0x36: {  	p1 =	seq.s32 s10, $0x1;
	s10 =	sld [smem:$0x3FA0];
	_ =	sdelay $0x3  }
0x37: {  	[smem:$0x3FA0] =	sst s10  }
0x38: {  	s10 =	sld [smem:$0x3FA1]  }
0x39: {  	_ = 	snop;
	(pc) =	sbr.ind lr, $3  }
0x3a: {  	_ = 	snop  }
0x3b: {  	_ = 	snop  }
0x3c: {  	p2 =	seq.s32 s10, $0x1;
	s10 =	sld [smem:$0x3FA0]  }
0x3d: {  	_ =	shalt  }
0x3e: {  	_ =	shalt  }
0x3f: {  	_ =	shalt  }
0x40: {  	_ =	shalt  }
0x41: {  	_ =	shalt  }
0x42: {  	_ =	shalt  }
0x43: {  	_ =	shalt  }
0x44: {  	_ =	shalt  }
0x45: {  	_ =	shalt  }
0x46: {  	_ =	shalt  }
0x47: {  	_ =	shalt  }
0x48: {  	_ =	shalt  }
0x49: {  	_ =	shalt  }
0x4a: {  	_ =	shalt  }
0x4b: {  	_ =	shalt  }
0x4c: {  	_ =	shalt  }
0x4d: {  	_ =	shalt  }
0x4e: {  	_ =	shalt  }
0x4f: {  	_ =	shalt  }
0x50: {  	_ =	shalt  }
0x51: {  	_ =	shalt  }
0x52: {  	_ =	shalt  }
0x53: {  	_ =	shalt  }
0x54: {  	_ =	shalt  }
0x55: {  	_ =	shalt  }
0x56: {  	_ =	shalt  }
0x57: {  	_ =	shalt  }
0x58: {  	_ =	shalt  }
0x59: {  	_ =	shalt  }
0x5a: {  	_ =	shalt  }
0x5b: {  	_ =	shalt  }
0x5c: {  	_ =	shalt  }
0x5d: {  	_ =	shalt  }
0x5e: {  	_ =	shalt  }
0x5f: {  	_ =	shalt  }
0x60: {  	_ =	shalt  }
0x61: {  	_ =	shalt  }
0x62: {  	_ =	shalt  }
0x63: {  	_ =	shalt  }
0x64: {  	_ =	shalt  }
0x65: {  	_ =	shalt  }
0x66: {  	_ =	shalt  }
0x67: {  	_ =	shalt  }
0x68: {  	_ =	shalt  }
0x69: {  	_ =	shalt  }
0x6a: {  	_ =	shalt  }
0x6b: {  	_ =	shalt  }
0x6c: {  	_ =	shalt  }
0x6d: {  	_ =	shalt  }
0x6e: {  	_ =	shalt  }
0x6f: {  	_ =	shalt  }
0x70: {  	_ =	shalt  }
0x71: {  	_ =	shalt  }
0x72: {  	_ =	shalt  }
0x73: {  	_ =	shalt  }
0x74: {  	_ =	shalt  }
0x75: {  	_ =	shalt  }
0x76: {  	_ =	shalt  }
0x77: {  	_ =	shalt  }
0x78: {  	_ =	shalt  }
0x79: {  	_ =	shalt  }
0x7a: {  	_ =	shalt  }
0x7b: {  	_ =	shalt  }
0x7c: {  	_ =	shalt  }
0x7d: {  	_ =	shalt  }
0x7e: {  	_ =	shalt  }
0x7f: {  	_ =	shalt  }
0x80: {  	_ =	shalt  }
0x81: {  	_ =	shalt  }
0x82: {  	_ =	shalt  }
0x83: {  	_ =	shalt  }
0x84: {  	_ =	shalt  }
0x85: {  	_ =	shalt  }
0x86: {  	_ =	shalt  }
0x87: {  	_ =	shalt  }
.Lfunc_end0:
.L_simem_size_0:
called_computation_lowered:
.L_overlay_start_0:
0x88: {  	s2 =	sld [smem:$0x3FD9]  }
0x89: {  	s3 =	sld [smem:$0x3FFE];
	_ =	sdelay $0x1  }
0x8a: {  	s1 =	srdreg.scid  }
0x8b: {  	s0 =	sand.u32 $0x1, s1  }
0x8c: {  	s16 =	sshll.u32 s0, $0xA;
	s2 =	sadd.s32 s3, s2  }
0x8d: {  	s2 =	sadd.s32 s2, s16  }
0x8e: {  	[smem:$0x3FAC] =	sst s2  }
0x8f: {  	_ = 	snop  }
0x90: {  	(tm) =	ssettm $0x1  }
0x91: {  	s17 =	sld [smem:$0x3FFB];
	_ =	sdelay $0x3  }
0x92: {  	_ =	strace s17  }
0x93: {  	s2 =	sld [smem:$0x3FFC];
	_ =	sdelay $0x3  }
0x94: {  	_ =	strace s2  }
0x95: {  	s2 =	sld [smem:$0x3FFD];
	_ =	sdelay $0x3  }
0x96: {  	_ =	strace s2  }
0x97: {  	_ =	strace $0x8FFFFFFF  }
0x98: {  	s18 =	sld [smem:$0x3FDB];
	_ =	sdelay $0x1  }
0x99: {  	s19 =	simm.s32 $_scs_section_size  }
0x9a: {  	s4 =	simm.s32 $_size__tile_overlayer_lowered;
	s5 =	simm.s32 $_tile_overlayer_lowered  }
0x9b: {  	s22 =	simm.s32 $0x1BFF;
	s21 =	sshll.u32 s5, $0x1;
	s2 =	sadd.s32 s19, s18  }
0x9c: {  	s6 =	simm.s32 $0x0;
	s20 =	sshll.u32 s4, $0x1;
	s4 =	sadd.s32 s21, s2  }
0x9d: {  	[timem:s6], [sflag:s22] =	dma.local [hbm:s4], s20  }
0x9e: {  	_ =	swait.ge [sflag:s22], s20  }
0x9f: {  	s3 =	ssub.s32 $0x0, s20;
	[sflag:s22] =	ssyncset.done $0x0  }
0xa0: {  	[sflag:s22] =	ssyncadd.s32 s3;
	_ =	sdelay $0x1  }
0xa1: {  	s23 =	simm.s32 $0x1B8B  }
0xa2: {  	_ =	swait.ge [sflag:s23], $0x1  }
0xa3: {  	[sflag:s23] =	ssyncset.done $0x0  }
0xa4: {  	s25 =	simm.s32 $0x1B8E;
	s24 =	sld [smem:$0x3FFE];
	[sflag:s23] =	ssyncadd.s32 $0xFFFFFFFF  }
0xa5: {  	s26 =	simm.s32 $execute0_lowered;
	[smem:$0x3FD2] =	sst s25  }
0xa6: {  	s4 =	sshll.u32 s26, $0x1;
	_ =	strace $0x80000046;
	[dreg:$0x1] =	wrdreg $0xFFFFFFFF  }
0xa7: {  	s28 =	simm.s32 $_size_execute0_lowered;
	s2 =	sadd.s32 s2, s4;
	[dreg:$0x0] =	wrdreg $0x0  }
0xa8: {  	s4 =	sshll.u32 s28, $0x1;
	[dreg:$0x2] =	wrdreg s2  }
0xa9: {  	[dreg:$0x3] =	wrdreg s4  }
0xaa: {  	[dreg:$0x4] =	wrdreg $0xC0  }
0xab: {  	_ =	task [dreg:s6], $0x5FFFF  }
0xac: {  	[dreg:$0x1] =	wrdreg $0xFFFFFFFF  }
0xad: {  	[dreg:$0x0] =	wrdreg $0x60  }
0xae: {  	[dreg:$0x2] =	wrdreg s24  }
0xaf: {  	[dreg:$0x3] =	wrdreg $0x9  }
0xb0: {  	_ =	task.clear_ibuf [dreg:s6], $0x4FFFF;
	_ =	strace $0x90000046  }
0xb1: {  	s29 =	simm.s32 $0x9;
	_ =	strace $0x80000048  }
0xb2: {  	_ =	swait.ge [sflag:s29], $0x1  }
0xb3: {  	[sflag:s29] =	ssyncadd.s32 $0xFFFFFFFF  }
0xb4: {  	_ =	strace $0x90000048  }
0xb5: {  	_ =	sfence  }
0xb6: {  	s30 =	sld [smem:$0x0];
	_ =	sdelay $0x2  }
0xb7: {  	s31 =	sshll.u32 s1, $0xD;
	s1 =	sshrl.u32 s1, $0x2  }
0xb8: {  	s3 =	sand.u32 $0x4000, s31;
	s1 =	sadd.s32 s1, s30  }
0xb9: {  	s0 =	sor.u32 s3, s0;
	s1 =	sshll.u32 s1, $0x11  }
0xba: {  	s0 =	sor.u32 s1, s0  }
0xbb: {  	s0 =	sadd.s32 $0x8F2B, s0  }
0xbc: {  	[sflag:s0] =	ssyncadd.remote.s32 $0x1  }
0xbd: {  	_ =	sfence.sel $0xFFFF  }
0xbe: {  	[dreg:$0x0] =	wrdreg $0xFFFFFFFF;
	(pc) =	sbr.abs _section_cstart, $3  }
0xbf: {  	[dreg:$0x1] =	wrdreg $0xFFFFFFFF  }
0xc0: {  	_ =	task.clear_ibuf [dreg:s6], $0x2FFFF;
	_ =	strace $0x9FFFFFFF  }
0xc1: {  	(tm) =	ssettm $0x7FFFFFFF  }
tec
execute0_lowered:
.L_overlay_start_1:
0x0: {  	(tag) =	ssettag $0x1  }
0x1: {  	s0 =	srdreg.scid  }
0x2: {  	s2 =	stileid.u32;
	s1 =	sand.u32 $0x1, s0  }
0x3: {  	s20 =	sshll.u32 s2, $0x1;
	s0 =	rddreg [dreg:$0x0];
	s2 =	simm.s32 $0x0  }
0x4: {  	s21 =	simm.s32 $0x1500;
	[smem:$0x7FF] =	sst s2  }
0x5: {  	s22 =	simm.s32 $0x100;
	_ =	strace $0x80000047;
	[dreg:$0x4] =	wrdreg s21  }
0x6: {  	s23 =	simm.s32 $0x1D00;
	[dreg:$0x5] =	wrdreg s22  }
0x7: {  	s24 =	simm.s32 $0x180;
	[dreg:$0x6] =	wrdreg s23  }
0x8: {  	s25 =	simm.s32 $0x2500;
	[dreg:$0x7] =	wrdreg s24  }
0x9: {  	s26 =	simm.s32 $0x200;
	[dreg:$0x8] =	wrdreg s25  }
0xa: {  	s5 =	simm.s32 $0x280;
	[dreg:$0x9] =	wrdreg s26  }
0xb: {  	s6 =	simm.s32 $0x3500;
	[dreg:$0xb] =	wrdreg s5  }
0xc: {  	s7 =	simm.s32 $0x300;
	[dreg:$0xc] =	wrdreg s6  }
0xd: {  	s8 =	simm.s32 $0x3D00;
	[dreg:$0xd] =	wrdreg s7  }
0xe: {  	s9 =	simm.s32 $0x380;
	[dreg:$0xe] =	wrdreg s8  }
0xf: {  	s10 =	simm.s32 $0x4500;
	[dreg:$0xf] =	wrdreg s9  }
0x10: {  	s11 =	simm.s32 $0x400;
	[dreg:$0x10] =	wrdreg s10  }
0x11: {  	s12 =	simm.s32 $0x4D00;
	[dreg:$0x11] =	wrdreg s11  }
0x12: {  	s13 =	simm.s32 $0x480;
	[dreg:$0x12] =	wrdreg s12  }
0x13: {  	s14 =	simm.s32 $0x5500;
	[dreg:$0x13] =	wrdreg s13  }
0x14: {  	s15 =	simm.s32 $0x500;
	[dreg:$0x14] =	wrdreg s14  }
0x15: {  	s16 =	simm.s32 $0x5D00;
	[dreg:$0x15] =	wrdreg s15  }
0x16: {  	s17 =	simm.s32 $0x580;
	[dreg:$0x16] =	wrdreg s16  }
0x17: {  	s18 =	simm.s32 $0x6500;
	[dreg:$0x17] =	wrdreg s17  }
0x18: {  	s19 =	simm.s32 $0x600;
	[dreg:$0x18] =	wrdreg s18  }
0x19: {  	s3 =	sor.u32 s1, s20;
	s20 =	simm.s32 $0x6D00;
	[dreg:$0x19] =	wrdreg s19  }
0x1a: {  	s4 =	smul.u32 $0x1A0, s3;
	[dreg:$0x1a] =	wrdreg s20;
	s21 =	simm.s32 $0x680  }
0x1b: {  	s3 =	smul.u32 $0x1A00, s3;
	s22 =	simm.s32 $0x7500;
	[dreg:$0x1b] =	wrdreg s21  }
0x1c: {  	s5 =	simm.s32 $0x700;
	[dreg:$0x1c] =	wrdreg s22;
	s4 =	sadd.s32 s4, s0  }
0x1d: {  	[dreg:$0x1d] =	wrdreg s5;
	s3 =	sadd.s32 s3, s0;
	s4 =	sadd.s32 $0x3400, s4  }
0x1e: {  	s3 =	sadd.s32 $0x1EEE00, s3;
	[dreg:$0x2] =	wrdreg s4  }
0x1f: {  	[dreg:$0x3] =	wrdreg s3;
	s4 =	simm.s32 $0x2D00  }
0x20: {  	[dreg:$0xa] =	wrdreg s4  }
0x21: {  	s3 =	simm.s32 $0x2;
	s4 =	rddreg [dreg:$0x2]  }
0x22: {  	[tilespmem:s2], [sflag:$0x2] =	stream.linear.gather [hbm4b:s4+s2], $0xD00, $0x38;
	[tilespmem:$0xDD00] =	vst v63  }
0x23: {  	_ =	swait.ge [sflag:s3], $0xD00  }
0x24: {  	s7 =	rddreg [dreg:$0x1c]  }
0x25: {  	s8 =	rddreg [dreg:$0x1a]  }
0x26: {  	s9 =	rddreg [dreg:$0x18]  }
0x27: {  	s10 =	rddreg [dreg:$0x16]  }
0x28: {  	s11 =	rddreg [dreg:$0x14]  }
0x29: {  	s12 =	rddreg [dreg:$0x12]  }
0x2a: {  	s13 =	rddreg [dreg:$0x10]  }
0x2b: {  	s14 =	rddreg [dreg:$0xe]  }
0x2c: {  	s15 =	rddreg [dreg:$0xc]  }
0x2d: {  	s6 =	simm.s32 $0x80;
	s16 =	rddreg [dreg:$0xa]  }
0x2e: {  	s5 =	sadd.s32 $0x6800, s0;
	s23 =	rddreg [dreg:$0x5];
	[sflag:s3] =	ssyncset.done $0x0  }
0x2f: {  	s4 =	simm.s32 $0xD00;
	s17 =	rddreg [dreg:$0x4];
	[sflag:s3] =	ssyncadd.s32 $0xFFFFF300  }
0x30: {  	[tilespmem:s4], [sflag:$0x1] =	stream.indirect.gather [hbm4b:s5+s6], $0x10, s2, s6, $0xb8;
	[tilespmem:$0xDD00] =	vst v63  }
0x31: {  	s18 =	rddreg [dreg:$0x6]  }
0x32: {  	[tilespmem:s17], [sflag:$0x1] =	stream.indirect.gather [hbm4b:s5+s6], $0x10, s6, s6, $0xb8;
	[tilespmem:$0xDD00] =	vst v63  }
0x33: {  	s19 =	rddreg [dreg:$0x8]  }
0x34: {  	[tilespmem:s18], [sflag:$0x1] =	stream.indirect.gather [hbm4b:s5+s6], $0x10, s23, s6, $0xb8;
	[tilespmem:$0xDD00] =	vst v63  }
0x35: {  	s24 =	rddreg [dreg:$0x7]  }
0x36: {  	[tilespmem:s19], [sflag:$0x1] =	stream.indirect.gather [hbm4b:s5+s6], $0x10, s24, s6, $0xb8;
	[tilespmem:$0xDD00] =	vst v63  }
0x37: {  	s25 =	rddreg [dreg:$0x9]  }
0x38: {  	[tilespmem:s16], [sflag:$0x1] =	stream.indirect.gather [hbm4b:s5+s6], $0x10, s25, s6, $0xb8;
	[tilespmem:$0xDD00] =	vst v63  }
0x39: {  	s26 =	rddreg [dreg:$0xb]  }
0x3a: {  	[tilespmem:s15], [sflag:$0x1] =	stream.indirect.gather [hbm4b:s5+s6], $0x10, s26, s6, $0xb8;
	[tilespmem:$0xDD00] =	vst v63  }
0x3b: {  	s16 =	rddreg [dreg:$0xd]  }
0x3c: {  	[tilespmem:s14], [sflag:$0x1] =	stream.indirect.gather [hbm4b:s5+s6], $0x10, s16, s6, $0xb8;
	[tilespmem:$0xDD00] =	vst v63  }
0x3d: {  	s18 =	rddreg [dreg:$0xf]  }
0x3e: {  	[tilespmem:s13], [sflag:$0x1] =	stream.indirect.gather [hbm4b:s5+s6], $0x10, s18, s6, $0xb8;
	[tilespmem:$0xDD00] =	vst v63  }
0x3f: {  	s19 =	rddreg [dreg:$0x11]  }
0x40: {  	[tilespmem:s12], [sflag:$0x1] =	stream.indirect.gather [hbm4b:s5+s6], $0x10, s19, s6, $0xb8;
	[tilespmem:$0xDD00] =	vst v63  }
0x41: {  	s20 =	rddreg [dreg:$0x13]  }
0x42: {  	[tilespmem:s11], [sflag:$0x1] =	stream.indirect.gather [hbm4b:s5+s6], $0x10, s20, s6, $0xb8;
	[tilespmem:$0xDD00] =	vst v63  }
0x43: {  	s21 =	rddreg [dreg:$0x15]  }
0x44: {  	[tilespmem:s10], [sflag:$0x1] =	stream.indirect.gather [hbm4b:s5+s6], $0x10, s21, s6, $0xb8;
	[tilespmem:$0xDD00] =	vst v63  }
0x45: {  	s22 =	rddreg [dreg:$0x17]  }
0x46: {  	[tilespmem:s9], [sflag:$0x1] =	stream.indirect.gather [hbm4b:s5+s6], $0x10, s22, s6, $0xb8;
	[tilespmem:$0xDD00] =	vst v63  }
0x47: {  	s23 =	rddreg [dreg:$0x19]  }
0x48: {  	[tilespmem:s8], [sflag:$0x1] =	stream.indirect.gather [hbm4b:s5+s6], $0x10, s23, s6, $0xb8;
	[tilespmem:$0xDD00] =	vst v63  }
0x49: {  	s24 =	rddreg [dreg:$0x1b]  }
0x4a: {  	[tilespmem:s7], [sflag:$0x1] =	stream.indirect.gather [hbm4b:s5+s6], $0x10, s24, s6, $0xb8;
	[tilespmem:$0xDD00] =	vst v63  }
0x4b: {  	s25 =	rddreg [dreg:$0x1d];
	s26 =	simm.s32 $0x7D00  }
0x4c: {  	[tilespmem:s26], [sflag:$0x1] =	stream.indirect.gather [hbm4b:s5+s6], $0x10, s25, s6, $0xb8;
	[tilespmem:$0xDD00] =	vst v63  }
0x4d: {  	s8 =	simm.s32 $0x8500;
	s7 =	simm.s32 $0x780  }
0x4e: {  	[tilespmem:s8], [sflag:$0x1] =	stream.indirect.gather [hbm4b:s5+s6], $0x10, s7, s6, $0xb8;
	[tilespmem:$0xDD00] =	vst v63  }
0x4f: {  	s10 =	simm.s32 $0x8D00;
	s9 =	simm.s32 $0x800  }
0x50: {  	[tilespmem:s10], [sflag:$0x1] =	stream.indirect.gather [hbm4b:s5+s6], $0x10, s9, s6, $0xb8;
	[tilespmem:$0xDD00] =	vst v63  }
0x51: {  	s12 =	simm.s32 $0x9500;
	s11 =	simm.s32 $0x880  }
0x52: {  	[tilespmem:s12], [sflag:$0x1] =	stream.indirect.gather [hbm4b:s5+s6], $0x10, s11, s6, $0xb8;
	[tilespmem:$0xDD00] =	vst v63  }
0x53: {  	s14 =	simm.s32 $0x9D00;
	s13 =	simm.s32 $0x900  }
0x54: {  	[tilespmem:s14], [sflag:$0x1] =	stream.indirect.gather [hbm4b:s5+s6], $0x10, s13, s6, $0xb8;
	[tilespmem:$0xDD00] =	vst v63  }
0x55: {  	s15 =	simm.s32 $0x980;
	s16 =	simm.s32 $0xA500  }
0x56: {  	[tilespmem:s16], [sflag:$0x1] =	stream.indirect.gather [hbm4b:s5+s6], $0x10, s15, s6, $0xb8;
	[tilespmem:$0xDD00] =	vst v63  }
0x57: {  	s17 =	simm.s32 $0xA00;
	s18 =	simm.s32 $0xAD00  }
0x58: {  	[tilespmem:s18], [sflag:$0x1] =	stream.indirect.gather [hbm4b:s5+s6], $0x10, s17, s6, $0xb8;
	[tilespmem:$0xDD00] =	vst v63  }
0x59: {  	s20 =	simm.s32 $0xA80;
	s21 =	simm.s32 $0xB500  }
0x5a: {  	[tilespmem:s21], [sflag:$0x1] =	stream.indirect.gather [hbm4b:s5+s6], $0x10, s20, s6, $0xb8;
	[tilespmem:$0xDD00] =	vst v63  }
0x5b: {  	s22 =	simm.s32 $0xB00;
	s23 =	simm.s32 $0xBD00  }
0x5c: {  	[tilespmem:s23], [sflag:$0x1] =	stream.indirect.gather [hbm4b:s5+s6], $0x10, s22, s6, $0xb8;
	[tilespmem:$0xDD00] =	vst v63  }
0x5d: {  	s25 =	simm.s32 $0xB80;
	s26 =	simm.s32 $0xC500  }
0x5e: {  	[tilespmem:s26], [sflag:$0x1] =	stream.indirect.gather [hbm4b:s5+s6], $0x10, s25, s6, $0xb8;
	[tilespmem:$0xDD00] =	vst v63  }
0x5f: {  	s28 =	simm.s32 $0xC00;
	s29 =	simm.s32 $0xCD00  }
0x60: {  	[tilespmem:s29], [sflag:$0x1] =	stream.indirect.gather [hbm4b:s5+s6], $0x10, s28, s6, $0xb8;
	[tilespmem:$0xDD00] =	vst v63  }
0x61: {  	s30 =	simm.s32 $0xC80;
	s31 =	simm.s32 $0xD500;
	s24 =	simm.s32 $0x1  }
0x62: {  	[tilespmem:s31], [sflag:$0x1] =	stream.indirect.gather [hbm4b:s5+s6], $0x10, s30, s6, $0xb8;
	[tilespmem:$0xDD00] =	vst v63  }
0x63: {  	_ =	swait.ge [sflag:s24], $0x800  }
0x64: {  	[sflag:s24] =	ssyncset.done $0x0  }
0x65: {  	[sflag:s24] =	ssyncadd.s32 $0xFFFFF800  }
0x66: {  	_ =	swait.ge [sflag:s24], $0x800  }
0x67: {  	[sflag:s24] =	ssyncset.done $0x0  }
0x68: {  	[sflag:s24] =	ssyncadd.s32 $0xFFFFF800  }
0x69: {  	_ =	swait.ge [sflag:s24], $0x800  }
0x6a: {  	[sflag:s24] =	ssyncset.done $0x0  }
0x6b: {  	[sflag:s24] =	ssyncadd.s32 $0xFFFFF800  }
0x6c: {  	_ =	swait.ge [sflag:s24], $0x800  }
0x6d: {  	[sflag:s24] =	ssyncset.done $0x0  }
0x6e: {  	[sflag:s24] =	ssyncadd.s32 $0xFFFFF800  }
0x6f: {  	_ =	swait.ge [sflag:s24], $0x800  }
0x70: {  	[sflag:s24] =	ssyncset.done $0x0  }
0x71: {  	[sflag:s24] =	ssyncadd.s32 $0xFFFFF800  }
0x72: {  	_ =	swait.ge [sflag:s24], $0x800  }
0x73: {  	[sflag:s24] =	ssyncset.done $0x0  }
0x74: {  	[sflag:s24] =	ssyncadd.s32 $0xFFFFF800  }
0x75: {  	_ =	swait.ge [sflag:s24], $0x800  }
0x76: {  	[sflag:s24] =	ssyncset.done $0x0  }
0x77: {  	[sflag:s24] =	ssyncadd.s32 $0xFFFFF800  }
0x78: {  	_ =	swait.ge [sflag:s24], $0x800  }
0x79: {  	[sflag:s24] =	ssyncset.done $0x0  }
0x7a: {  	[sflag:s24] =	ssyncadd.s32 $0xFFFFF800  }
0x7b: {  	_ =	swait.ge [sflag:s24], $0x800  }
0x7c: {  	[sflag:s24] =	ssyncset.done $0x0  }
0x7d: {  	[sflag:s24] =	ssyncadd.s32 $0xFFFFF800  }
0x7e: {  	_ =	swait.ge [sflag:s24], $0x800  }
0x7f: {  	[sflag:s24] =	ssyncset.done $0x0  }
0x80: {  	[sflag:s24] =	ssyncadd.s32 $0xFFFFF800  }
0x81: {  	_ =	swait.ge [sflag:s24], $0x800  }
0x82: {  	[sflag:s24] =	ssyncset.done $0x0  }
0x83: {  	[sflag:s24] =	ssyncadd.s32 $0xFFFFF800  }
0x84: {  	_ =	swait.ge [sflag:s24], $0x800  }
0x85: {  	[sflag:s24] =	ssyncset.done $0x0  }
0x86: {  	[sflag:s24] =	ssyncadd.s32 $0xFFFFF800  }
0x87: {  	_ =	swait.ge [sflag:s24], $0x800  }
0x88: {  	[sflag:s24] =	ssyncset.done $0x0  }
0x89: {  	[sflag:s24] =	ssyncadd.s32 $0xFFFFF800  }
0x8a: {  	_ =	swait.ge [sflag:s24], $0x800  }
0x8b: {  	[sflag:s24] =	ssyncset.done $0x0  }
0x8c: {  	[sflag:s24] =	ssyncadd.s32 $0xFFFFF800  }
0x8d: {  	_ =	swait.ge [sflag:s24], $0x800  }
0x8e: {  	[sflag:s24] =	ssyncset.done $0x0  }
0x8f: {  	[sflag:s24] =	ssyncadd.s32 $0xFFFFF800  }
0x90: {  	_ =	swait.ge [sflag:s24], $0x800  }
0x91: {  	[sflag:s24] =	ssyncset.done $0x0  }
0x92: {  	[sflag:s24] =	ssyncadd.s32 $0xFFFFF800  }
0x93: {  	_ =	swait.ge [sflag:s24], $0x800  }
0x94: {  	[sflag:s24] =	ssyncset.done $0x0  }
0x95: {  	[sflag:s24] =	ssyncadd.s32 $0xFFFFF800  }
0x96: {  	_ =	swait.ge [sflag:s24], $0x800  }
0x97: {  	[sflag:s24] =	ssyncset.done $0x0  }
0x98: {  	[sflag:s24] =	ssyncadd.s32 $0xFFFFF800  }
0x99: {  	_ =	swait.ge [sflag:s24], $0x800  }
0x9a: {  	[sflag:s24] =	ssyncset.done $0x0  }
0x9b: {  	[sflag:s24] =	ssyncadd.s32 $0xFFFFF800  }
0x9c: {  	_ =	swait.ge [sflag:s24], $0x800  }
0x9d: {  	[sflag:s24] =	ssyncset.done $0x0  }
0x9e: {  	[sflag:s24] =	ssyncadd.s32 $0xFFFFF800  }
0x9f: {  	s19 =	ssub.s32 $0x2, s1;
	_ =	swait.ge [sflag:s24], $0x800  }
0xa0: {  	s1 =	sshrl.u32 s19, $0x1;
	[sflag:s24] =	ssyncset.done $0x0  }
0xa1: {  	s0 =	ssub.s32 s19, s1;
	[sflag:s24] =	ssyncadd.s32 $0xFFFFF800  }
0xa2: {  	s0 =	smax.u32 s0, $0x1;
	_ =	swait.ge [sflag:s24], $0x800  }
0xa3: {  	p0 =	sne.s32 s0, $0x1;
	[sflag:s24] =	ssyncset.done $0x0  }
.Ltmp0:
0xa4: {  	[sflag:s24] =	ssyncadd.s32 $0xFFFFF800;
	(pc) =	sbr.rel @!p0 .LBB2_2-.Ltmp0, $4  }
0xa5: {  	_ =	swait.ge [sflag:s24], $0x800  }
0xa6: {  	[sflag:s24] =	ssyncset.done $0x0  }
0xa7: {  	[sflag:s24] =	ssyncadd.s32 $0xFFFFF800  }
0xa8: {  	s1 =	sadd.s32 $0xFFFFFFFF, s0;
	_ =	swait.ge [sflag:s24], $0x800  }
.LBB2_1:
0xa9: {  	[sflag:s24] =	ssyncset.done $0x0  }
0xaa: {  	[sflag:s24] =	ssyncadd.s32 $0xFFFFF800  }
0xab: {  	_ =	swait.ge [sflag:s24], $0x800  }
0xac: {  	[sflag:s24] =	ssyncset.done $0x0  }
0xad: {  	[sflag:s24] =	ssyncadd.s32 $0xFFFFF800  }
0xae: {  	_ =	swait.ge [sflag:s24], $0x800  }
0xaf: {  	[sflag:s24] =	ssyncset.done $0x0  }
0xb0: {  	s0 =	rddreg [dreg:$0x3];
	[sflag:s24] =	ssyncadd.s32 $0xFFFFF800  }
0xb1: {  	[hbm4b:s0+s2] =	stream.linear.scatter [tilespmem:s4], [sflag:$0x2], $0xD000, $0x38;
	[tilespmem:$0xDD00] =	vst v63  }
0xb2: {  	_ =	swait.ge [sflag:s3], $0xD000  }
0xb3: {  	[sflag:s3] =	ssyncset.done $0x0  }
0xb4: {  	s17 =	rddreg [dreg:$0x2];
	[sflag:s3] =	ssyncadd.s32 $0xFFFF3000  }
0xb5: {  	[tilespmem:s2], [sflag:$0x2] =	stream.linear.gather [hbm4b:s17+s2], $0xD00, $0x38;
	[tilespmem:$0xDD00] =	vst v63  }
0xb6: {  	_ =	swait.ge [sflag:s3], $0xD00  }
0xb7: {  	s0 =	rddreg [dreg:$0x1c]  }
0xb8: {  	s7 =	rddreg [dreg:$0x1a]  }
0xb9: {  	s8 =	rddreg [dreg:$0x18]  }
0xba: {  	s9 =	rddreg [dreg:$0x16]  }
0xbb: {  	s10 =	rddreg [dreg:$0x14]  }
0xbc: {  	s11 =	rddreg [dreg:$0x12]  }
0xbd: {  	s12 =	rddreg [dreg:$0x10]  }
0xbe: {  	s13 =	rddreg [dreg:$0xe]  }
0xbf: {  	s14 =	rddreg [dreg:$0xc]  }
0xc0: {  	s15 =	rddreg [dreg:$0xa]  }
0xc1: {  	s16 =	rddreg [dreg:$0x5];
	[sflag:s3] =	ssyncset.done $0x0  }
0xc2: {  	s17 =	rddreg [dreg:$0x4];
	[sflag:s3] =	ssyncadd.s32 $0xFFFFF300  }
0xc3: {  	[tilespmem:s4], [sflag:$0x1] =	stream.indirect.gather [hbm4b:s5+s6], $0x10, s2, s6, $0xb8;
	[tilespmem:$0xDD00] =	vst v63  }
0xc4: {  	s18 =	rddreg [dreg:$0x6]  }
0xc5: {  	[tilespmem:s17], [sflag:$0x1] =	stream.indirect.gather [hbm4b:s5+s6], $0x10, s6, s6, $0xb8;
	[tilespmem:$0xDD00] =	vst v63  }
0xc6: {  	s19 =	rddreg [dreg:$0x8]  }
0xc7: {  	[tilespmem:s18], [sflag:$0x1] =	stream.indirect.gather [hbm4b:s5+s6], $0x10, s16, s6, $0xb8;
	[tilespmem:$0xDD00] =	vst v63  }
0xc8: {  	s17 =	rddreg [dreg:$0x7]  }
0xc9: {  	[tilespmem:s19], [sflag:$0x1] =	stream.indirect.gather [hbm4b:s5+s6], $0x10, s17, s6, $0xb8;
	[tilespmem:$0xDD00] =	vst v63  }
0xca: {  	s18 =	rddreg [dreg:$0x9]  }
0xcb: {  	[tilespmem:s15], [sflag:$0x1] =	stream.indirect.gather [hbm4b:s5+s6], $0x10, s18, s6, $0xb8;
	[tilespmem:$0xDD00] =	vst v63  }
0xcc: {  	s19 =	rddreg [dreg:$0xb]  }
0xcd: {  	[tilespmem:s14], [sflag:$0x1] =	stream.indirect.gather [hbm4b:s5+s6], $0x10, s19, s6, $0xb8;
	[tilespmem:$0xDD00] =	vst v63  }
0xce: {  	s16 =	rddreg [dreg:$0xd]  }
0xcf: {  	[tilespmem:s13], [sflag:$0x1] =	stream.indirect.gather [hbm4b:s5+s6], $0x10, s16, s6, $0xb8;
	[tilespmem:$0xDD00] =	vst v63  }
0xd0: {  	s17 =	rddreg [dreg:$0xf]  }
0xd1: {  	[tilespmem:s12], [sflag:$0x1] =	stream.indirect.gather [hbm4b:s5+s6], $0x10, s17, s6, $0xb8;
	[tilespmem:$0xDD00] =	vst v63  }
0xd2: {  	s18 =	rddreg [dreg:$0x11]  }
0xd3: {  	[tilespmem:s11], [sflag:$0x1] =	stream.indirect.gather [hbm4b:s5+s6], $0x10, s18, s6, $0xb8;
	[tilespmem:$0xDD00] =	vst v63  }
0xd4: {  	s19 =	rddreg [dreg:$0x13]  }
0xd5: {  	[tilespmem:s10], [sflag:$0x1] =	stream.indirect.gather [hbm4b:s5+s6], $0x10, s19, s6, $0xb8;
	[tilespmem:$0xDD00] =	vst v63  }
0xd6: {  	s14 =	rddreg [dreg:$0x15]  }
0xd7: {  	[tilespmem:s9], [sflag:$0x1] =	stream.indirect.gather [hbm4b:s5+s6], $0x10, s14, s6, $0xb8;
	[tilespmem:$0xDD00] =	vst v63  }
0xd8: {  	s15 =	rddreg [dreg:$0x17]  }
0xd9: {  	[tilespmem:s8], [sflag:$0x1] =	stream.indirect.gather [hbm4b:s5+s6], $0x10, s15, s6, $0xb8;
	[tilespmem:$0xDD00] =	vst v63  }
0xda: {  	s16 =	rddreg [dreg:$0x19]  }
0xdb: {  	[tilespmem:s7], [sflag:$0x1] =	stream.indirect.gather [hbm4b:s5+s6], $0x10, s16, s6, $0xb8;
	[tilespmem:$0xDD00] =	vst v63  }
0xdc: {  	s17 =	rddreg [dreg:$0x1b]  }
0xdd: {  	[tilespmem:s0], [sflag:$0x1] =	stream.indirect.gather [hbm4b:s5+s6], $0x10, s17, s6, $0xb8;
	[tilespmem:$0xDD00] =	vst v63  }
0xde: {  	s18 =	rddreg [dreg:$0x1d];
	s19 =	simm.s32 $0x7D00  }
0xdf: {  	[tilespmem:s19], [sflag:$0x1] =	stream.indirect.gather [hbm4b:s5+s6], $0x10, s18, s6, $0xb8;
	[tilespmem:$0xDD00] =	vst v63  }
0xe0: {  	s9 =	simm.s32 $0x8500;
	s8 =	simm.s32 $0x780  }
0xe1: {  	[tilespmem:s9], [sflag:$0x1] =	stream.indirect.gather [hbm4b:s5+s6], $0x10, s8, s6, $0xb8;
	[tilespmem:$0xDD00] =	vst v63  }
0xe2: {  	s11 =	simm.s32 $0x8D00;
	s10 =	simm.s32 $0x800  }
0xe3: {  	[tilespmem:s11], [sflag:$0x1] =	stream.indirect.gather [hbm4b:s5+s6], $0x10, s10, s6, $0xb8;
	[tilespmem:$0xDD00] =	vst v63  }
0xe4: {  	s13 =	simm.s32 $0x9500;
	s12 =	simm.s32 $0x880  }
0xe5: {  	[tilespmem:s13], [sflag:$0x1] =	stream.indirect.gather [hbm4b:s5+s6], $0x10, s12, s6, $0xb8;
	[tilespmem:$0xDD00] =	vst v63  }
0xe6: {  	s14 =	simm.s32 $0x900;
	s15 =	simm.s32 $0x9D00  }
0xe7: {  	[tilespmem:s15], [sflag:$0x1] =	stream.indirect.gather [hbm4b:s5+s6], $0x10, s14, s6, $0xb8;
	[tilespmem:$0xDD00] =	vst v63  }
0xe8: {  	s16 =	simm.s32 $0x980;
	s17 =	simm.s32 $0xA500  }
0xe9: {  	[tilespmem:s17], [sflag:$0x1] =	stream.indirect.gather [hbm4b:s5+s6], $0x10, s16, s6, $0xb8;
	[tilespmem:$0xDD00] =	vst v63  }
0xea: {  	s18 =	simm.s32 $0xA00;
	s19 =	simm.s32 $0xAD00  }
0xeb: {  	[tilespmem:s19], [sflag:$0x1] =	stream.indirect.gather [hbm4b:s5+s6], $0x10, s18, s6, $0xb8;
	[tilespmem:$0xDD00] =	vst v63  }
0xec: {  	_ = 	snop  }
0xed: {  	[tilespmem:s21], [sflag:$0x1] =	stream.indirect.gather [hbm4b:s5+s6], $0x10, s20, s6, $0xb8;
	[tilespmem:$0xDD00] =	vst v63  }
0xee: {  	_ = 	snop  }
0xef: {  	[tilespmem:s23], [sflag:$0x1] =	stream.indirect.gather [hbm4b:s5+s6], $0x10, s22, s6, $0xb8;
	[tilespmem:$0xDD00] =	vst v63  }
0xf0: {  	_ = 	snop  }
0xf1: {  	[tilespmem:s26], [sflag:$0x1] =	stream.indirect.gather [hbm4b:s5+s6], $0x10, s25, s6, $0xb8;
	[tilespmem:$0xDD00] =	vst v63  }
0xf2: {  	_ = 	snop  }
0xf3: {  	[tilespmem:s29], [sflag:$0x1] =	stream.indirect.gather [hbm4b:s5+s6], $0x10, s28, s6, $0xb8;
	[tilespmem:$0xDD00] =	vst v63  }
0xf4: {  	_ = 	snop  }
0xf5: {  	[tilespmem:s31], [sflag:$0x1] =	stream.indirect.gather [hbm4b:s5+s6], $0x10, s30, s6, $0xb8;
	[tilespmem:$0xDD00] =	vst v63  }
0xf6: {  	_ =	swait.ge [sflag:s24], $0x800  }
0xf7: {  	[sflag:s24] =	ssyncset.done $0x0  }
0xf8: {  	[sflag:s24] =	ssyncadd.s32 $0xFFFFF800  }
0xf9: {  	_ =	swait.ge [sflag:s24], $0x800  }
0xfa: {  	[sflag:s24] =	ssyncset.done $0x0  }
0xfb: {  	[sflag:s24] =	ssyncadd.s32 $0xFFFFF800  }
0xfc: {  	_ =	swait.ge [sflag:s24], $0x800  }
0xfd: {  	[sflag:s24] =	ssyncset.done $0x0  }
0xfe: {  	[sflag:s24] =	ssyncadd.s32 $0xFFFFF800  }
0xff: {  	_ =	swait.ge [sflag:s24], $0x800  }
0x100: {  	[sflag:s24] =	ssyncset.done $0x0  }
0x101: {  	[sflag:s24] =	ssyncadd.s32 $0xFFFFF800  }
0x102: {  	_ =	swait.ge [sflag:s24], $0x800  }
0x103: {  	[sflag:s24] =	ssyncset.done $0x0  }
0x104: {  	[sflag:s24] =	ssyncadd.s32 $0xFFFFF800  }
0x105: {  	_ =	swait.ge [sflag:s24], $0x800  }
0x106: {  	[sflag:s24] =	ssyncset.done $0x0  }
0x107: {  	[sflag:s24] =	ssyncadd.s32 $0xFFFFF800  }
0x108: {  	_ =	swait.ge [sflag:s24], $0x800  }
0x109: {  	[sflag:s24] =	ssyncset.done $0x0  }
0x10a: {  	[sflag:s24] =	ssyncadd.s32 $0xFFFFF800  }
0x10b: {  	_ =	swait.ge [sflag:s24], $0x800  }
0x10c: {  	[sflag:s24] =	ssyncset.done $0x0  }
0x10d: {  	[sflag:s24] =	ssyncadd.s32 $0xFFFFF800  }
0x10e: {  	_ =	swait.ge [sflag:s24], $0x800  }
0x10f: {  	[sflag:s24] =	ssyncset.done $0x0  }
0x110: {  	[sflag:s24] =	ssyncadd.s32 $0xFFFFF800  }
0x111: {  	_ =	swait.ge [sflag:s24], $0x800  }
0x112: {  	[sflag:s24] =	ssyncset.done $0x0  }
0x113: {  	[sflag:s24] =	ssyncadd.s32 $0xFFFFF800  }
0x114: {  	_ =	swait.ge [sflag:s24], $0x800  }
0x115: {  	[sflag:s24] =	ssyncset.done $0x0  }
0x116: {  	[sflag:s24] =	ssyncadd.s32 $0xFFFFF800  }
0x117: {  	_ =	swait.ge [sflag:s24], $0x800  }
0x118: {  	[sflag:s24] =	ssyncset.done $0x0  }
0x119: {  	[sflag:s24] =	ssyncadd.s32 $0xFFFFF800  }
0x11a: {  	_ =	swait.ge [sflag:s24], $0x800  }
0x11b: {  	[sflag:s24] =	ssyncset.done $0x0  }
0x11c: {  	[sflag:s24] =	ssyncadd.s32 $0xFFFFF800  }
0x11d: {  	_ =	swait.ge [sflag:s24], $0x800  }
0x11e: {  	[sflag:s24] =	ssyncset.done $0x0  }
0x11f: {  	[sflag:s24] =	ssyncadd.s32 $0xFFFFF800  }
0x120: {  	_ =	swait.ge [sflag:s24], $0x800  }
0x121: {  	[sflag:s24] =	ssyncset.done $0x0  }
0x122: {  	[sflag:s24] =	ssyncadd.s32 $0xFFFFF800  }
0x123: {  	_ =	swait.ge [sflag:s24], $0x800  }
0x124: {  	[sflag:s24] =	ssyncset.done $0x0  }
0x125: {  	[sflag:s24] =	ssyncadd.s32 $0xFFFFF800  }
0x126: {  	_ =	swait.ge [sflag:s24], $0x800  }
0x127: {  	[sflag:s24] =	ssyncset.done $0x0  }
0x128: {  	[sflag:s24] =	ssyncadd.s32 $0xFFFFF800  }
0x129: {  	_ =	swait.ge [sflag:s24], $0x800  }
0x12a: {  	[sflag:s24] =	ssyncset.done $0x0  }
0x12b: {  	[sflag:s24] =	ssyncadd.s32 $0xFFFFF800  }
0x12c: {  	_ =	swait.ge [sflag:s24], $0x800  }
0x12d: {  	[sflag:s24] =	ssyncset.done $0x0  }
0x12e: {  	[sflag:s24] =	ssyncadd.s32 $0xFFFFF800  }
0x12f: {  	_ =	swait.ge [sflag:s24], $0x800  }
0x130: {  	[sflag:s24] =	ssyncset.done $0x0  }
0x131: {  	[sflag:s24] =	ssyncadd.s32 $0xFFFFF800  }
0x132: {  	_ =	swait.ge [sflag:s24], $0x800  }
0x133: {  	[sflag:s24] =	ssyncset.done $0x0  }
0x134: {  	[sflag:s24] =	ssyncadd.s32 $0xFFFFF800  }
0x135: {  	_ =	swait.ge [sflag:s24], $0x800  }
0x136: {  	p0 =	sne.s32 s1, $0x1;
	[sflag:s24] =	ssyncset.done $0x0  }
.Ltmp1:
0x137: {  	[sflag:s24] =	ssyncadd.s32 $0xFFFFF800;
	(pc) =	sbr.rel @p0 .LBB2_1-.Ltmp1, $4  }
0x138: {  	_ =	swait.ge [sflag:s24], $0x800  }
0x139: {  	[sflag:s24] =	ssyncset.done $0x0  }
0x13a: {  	[sflag:s24] =	ssyncadd.s32 $0xFFFFF800  }
0x13b: {  	s1 =	sadd.s32 $0xFFFFFFFF, s1;
	_ =	swait.ge [sflag:s24], $0x800  }
.LBB2_2:
0x13c: {  	[sflag:s24] =	ssyncset.done $0x0  }
0x13d: {  	[sflag:s24] =	ssyncadd.s32 $0xFFFFF800  }
0x13e: {  	_ =	swait.ge [sflag:s24], $0x800  }
0x13f: {  	[sflag:s24] =	ssyncset.done $0x0  }
0x140: {  	[sflag:s24] =	ssyncadd.s32 $0xFFFFF800  }
0x141: {  	_ =	swait.ge [sflag:s24], $0x800  }
0x142: {  	[sflag:s24] =	ssyncset.done $0x0  }
0x143: {  	s0 =	rddreg [dreg:$0x3];
	[sflag:s24] =	ssyncadd.s32 $0xFFFFF800  }
0x144: {  	[hbm4b:s0+s2] =	stream.linear.scatter [tilespmem:s4], [sflag:$0x2], $0xD000, $0x38;
	[tilespmem:$0xDD00] =	vst v63  }
0x145: {  	_ =	swait.ge [sflag:s3], $0xD000  }
0x146: {  	[sflag:s3] =	ssyncset.done $0x0  }
0x147: {  	[sflag:s3] =	ssyncadd.s32 $0xFFFF3000  }
0x148: {  	_ =	sfence.sel $0x180000  }
0x149: {  	[bflag:$0x0] =	sbarrier.arrive $0xFFFF  }
0x14a: {  	_ =	strace $0x90000047  }
0x14b: {  	s31 =	stileid.u32;
	[bflag:$0x2] =	sbarrier.arrive $0xFFFF  }
0x14c: {  	p0 =	sne.s32 s31, $0x0;
	s0 =	rddreg [dreg:$0x1]  }
0x14d: {  	s0 =	sadd.s32 @!p0 $0x100000, s0  }
0x14e: {  	[sflag:s0] =	ssyncadd.tile.s32 @!p0 $0x1;
	_ =	shalt  }
.Lfunc_end2:
_tile_overlayer_lowered:
.L_overlay_start_2:
0x14f: {  	(tag) =	ssettag $0x2  }
0x150: {  	s0 =	rddreg [dreg:$0x0];
	s2 =	stileid.u32  }
0x151: {  	s1 =	rddreg [dreg:$0x1];
	p0 =	sne.s32 s2, $0x0  }
0x152: {  	s3 =	rddreg [dreg:$0x2];
	[bflag:$0x3] =	sbarrier.arrive $0xFFFF;
	s2 =	simm.s32 @!p0 $0x1C02  }
0x153: {  	[timem:s3], [sflag:s2] =	dma.local @!p0 [hbm:s0], s1  }
0x154: {  	s0 =	simm.s32 @!p0 $0x2  }
0x155: {  	_ =	swait.ge @!p0 [sflag:s0], s1  }
0x156: {  	s1 =	ssub.s32 @!p0 $0x0, s1;
	[sflag:s0] =	ssyncset.done @!p0 $0x0  }
0x157: {  	[sflag:s0] =	ssyncadd.s32 @!p0 s1  }
0x158: {  	[bflag:$0x3] =	sbarrier.arrive $0xFFFF  }
0x159: {  	_ =	shalt  }

</sc_bundles>
